<compile_context>
chip_gen: v7x
topology: tpu7x:2x2x1
jax: 0.10.2.dev20260603
libtpu: 0.0.44.dev20260713+nightly
codegen_flags: <defaults>
</compile_context>

<pallas_src>
import jax
import jax.numpy as jnp
from jax import lax
from jax.experimental import pallas as pl
from jax.experimental.pallas import tpu as pltpu
from jax.experimental.pallas import tpu_sc as plsc

L_BITS = 20
BATCH = 16384
NUM_CORES = 1
NUM_SUBCORES = 16
NUM_WORKERS = NUM_CORES * NUM_SUBCORES
B_W = BATCH // NUM_WORKERS
CHUNK = 128
N_CHUNKS = B_W // CHUNK
TC_BLOCK = 16384


def _index_body(xt_ref, idx_ref):
    xt = xt_ref[...]
    j = lax.broadcasted_iota(jnp.int32, (L_BITS, 1), 0)
    w = jnp.left_shift(jnp.int32(1), (L_BITS - 1) - j).astype(jnp.float32)
    s = jnp.sum(xt * w, axis=0)
    idx_ref[...] = ((s + jnp.float32((1 << L_BITS) - 1)) * 0.5).astype(jnp.int32)


def _gather_body(idx_hbm, aux_hbm, out_hbm, idx_v, out_v, sem):
    cid = lax.axis_index("c")
    sid = lax.axis_index("s")
    wid = sid * NUM_CORES + cid
    base = wid * B_W

    stages = []
    for c in range(N_CHUNKS):
        stages.append(
            pltpu.async_copy(
                idx_hbm.at[pl.ds(base + c * CHUNK, CHUNK)],
                idx_v.at[pl.ds(c * CHUNK, CHUNK)],
                sem.at[c],
            )
        )
    gathers = []
    for c in range(N_CHUNKS):
        stages[c].wait()
        gathers.append(
            pltpu.async_copy(
                aux_hbm.at[idx_v.at[pl.ds(c * CHUNK, CHUNK)]],
                out_v.at[pl.ds(c * CHUNK, CHUNK)],
                sem.at[N_CHUNKS + c],
            )
        )
    writes = []
    for c in range(N_CHUNKS):
        gathers[c].wait()
        writes.append(
            pltpu.async_copy(
                out_v.at[pl.ds(c * CHUNK, CHUNK)],
                out_hbm.at[pl.ds(base + c * CHUNK, CHUNK)],
                sem.at[2 * N_CHUNKS + c],
            )
        )
    for wr in writes:
        wr.wait()


@jax.jit
def kernel(x, aux):
    indices = pl.pallas_call(
        _index_body,
        grid=(BATCH // TC_BLOCK,),
        in_specs=[pl.BlockSpec((L_BITS, TC_BLOCK), lambda i: (0, i))],
        out_specs=pl.BlockSpec((TC_BLOCK,), lambda i: (i,)),
        out_shape=jax.ShapeDtypeStruct((BATCH,), jnp.int32),
    )(x.T)

    mesh = plsc.VectorSubcoreMesh(core_axis_name="c", subcore_axis_name="s", num_cores=1)
    run = pl.kernel(
        _gather_body,
        out_type=jax.ShapeDtypeStruct((BATCH,), jnp.float32),
        mesh=mesh,
        compiler_params=pltpu.CompilerParams(needs_layout_passes=False),
        scratch_types=[
            pltpu.VMEM((B_W,), jnp.int32),
            pltpu.VMEM((B_W,), jnp.float32),
            pltpu.SemaphoreType.DMA((3 * N_CHUNKS,)),
        ],
    )
    return run(indices, aux)

# --- scband reference (transcript-rebuilt; emitter-appended) ---
"""Pipeline reference for scband-ewf-16406775071109 (READ-ONLY COPY).

The authoritative reference and input builder live on the scoring server;
editing this copy changes nothing except your own understanding.
"""

import jax, jax.numpy as jnp
import numpy as np

L = 20
BATCH = 16384


def change_to_int(x, L):
    # Aux = [2^(L-1), 2^(L-2), ..., 1]
    Aux = jnp.array([2 ** (L - 1 - i) for i in range(L)], dtype=jnp.int32)
    # spins +1 -> bit 1, spins -1 -> bit 0 (matches mod(1+x,3)/2 cast to int)
    Z = (jnp.mod(1 + x, 3) / 2).astype(jnp.int32)
    return jnp.sum(Aux * Z, axis=-1)


def setup_inputs(seed: int = 0) -> dict:
    key = jax.random.key(seed)
    kx, ka = jax.random.split(key, 2)
    # spin configurations in {-1, +1}, shape [BATCH, L]
    bits = jax.random.randint(kx, (BATCH, L), 0, 2)
    x = bits.astype(jnp.float32) * 2.0 - 1.0
    # eig_vec table (self.aux in the flax module), length 2^L
    aux = jax.random.normal(ka, (2 ** L,), dtype=jnp.float32)
    return {"x": x, "aux": aux}


def reference(x, aux):
    # Faithful translation of EWF.__call__:
    #   indices = change_to_int(x, L)
    #   A = [aux[idx] for idx in indices]  -> vectorized gather
    #   return jnp.array(A)
    indices = change_to_int(x, L)
    return jnp.take(aux, indices, axis=0)

if __name__ == "__main__":
    import jax
    _d = setup_inputs()
    print(jax.jit(kernel)(*tuple(_d.values())))

</pallas_src>

<mosaic_0001>
#map = affine_map<(d0, d1) -> (0)>
module attributes {stable_mosaic.version = 14 : i64} {
  func.func @_gather_body(%arg0: i32, %arg1: i32, %arg2: memref<16384xi32, #tpu.memory_space<hbm>>, %arg3: memref<1048576xf32, #tpu.memory_space<hbm>>, %arg4: memref<16384xf32, #tpu.memory_space<hbm>>, %arg5: memref<1024xi32, #tpu.memory_space<vmem>>, %arg6: memref<1024xf32, #tpu.memory_space<vmem>>, %arg7: memref<24x!tpu.dma_semaphore, #tpu.memory_space<semaphore_mem>>) attributes {dimension_semantics = [#tpu.dimension_semantics<core_parallel>, #tpu.dimension_semantics<subcore_parallel>], iteration_bounds = array<i64: 1, 16>, scalar_prefetch = 0 : i64, scratch_operands = 3 : i64, tpu.core_type = #tpu.core_type<sc_vector_subcore>, window_params = [{transform_indices = #map}, {transform_indices = #map}, {transform_indices = #map}]} {
    %mul3A = arith.constant 1 : i32
    %mul3A_0 = arith.muli %arg1, %mul3A : i32
    %add3A = arith.addi %mul3A_0, %arg0 : i32
    %mul3A_1 = arith.constant 1024 : i32
    %mul3A_2 = arith.muli %add3A, %mul3A_1 : i32
    %add3A_3 = arith.constant 0 : i32
    %add3A_4 = arith.addi %mul3A_2, %add3A_3 : i32
    %dma_start3A = arith.constant 0 : i32
    %dma_start3A_5 = arith.constant 0 : i32
    %dma_start3A_6 = tpu.memref_slice %arg5[%dma_start3A_5] : memref<1024xi32, #tpu.memory_space<vmem>> -> memref<128xi32, #tpu.memory_space<vmem>>
    %dma_start3A_7 = tpu.memref_slice %arg2[%add3A_4] : memref<16384xi32, #tpu.memory_space<hbm>> -> memref<128xi32, #tpu.memory_space<hbm>>
    %dma_start3A_8 = tpu.memref_slice %arg7[%dma_start3A] : memref<24x!tpu.dma_semaphore, #tpu.memory_space<semaphore_mem>> -> memref<1x!tpu.dma_semaphore, #tpu.memory_space<semaphore_mem>>
    %dma_start3A_9 = tpu.memref_squeeze %dma_start3A_8 : memref<1x!tpu.dma_semaphore, #tpu.memory_space<semaphore_mem>> -> memref<!tpu.dma_semaphore, #tpu.memory_space<semaphore_mem>>
    %dma_start3A_10 = arith.constant 0 : i32
    %dma_start3A_11 = tpu.memref_slice %arg5[%dma_start3A_10] : memref<1024xi32, #tpu.memory_space<vmem>> -> memref<128xi32, #tpu.memory_space<vmem>>
    %dma_start3A_12 = tpu.memref_slice %arg2[%add3A_4] : memref<16384xi32, #tpu.memory_space<hbm>> -> memref<128xi32, #tpu.memory_space<hbm>>
    tpu.enqueue_dma source(%dma_start3A_12 : memref<128xi32, #tpu.memory_space<hbm>>) target(%dma_start3A_11 : memref<128xi32, #tpu.memory_space<vmem>>) target_semaphore(%dma_start3A_9 : memref<!tpu.dma_semaphore, #tpu.memory_space<semaphore_mem>>)
    %add3A_13 = arith.constant 128 : i32
    %add3A_14 = arith.addi %mul3A_2, %add3A_13 : i32
    %dma_start3A_15 = arith.constant 1 : i32
    %dma_start3A_16 = arith.constant 128 : i32
    %dma_start3A_17 = tpu.memref_slice %arg5[%dma_start3A_16] : memref<1024xi32, #tpu.memory_space<vmem>> -> memref<128xi32, #tpu.memory_space<vmem>>
    %dma_start3A_18 = tpu.memref_slice %arg2[%add3A_14] : memref<16384xi32, #tpu.memory_space<hbm>> -> memref<128xi32, #tpu.memory_space<hbm>>
    %dma_start3A_19 = tpu.memref_slice %arg7[%dma_start3A_15] : memref<24x!tpu.dma_semaphore, #tpu.memory_space<semaphore_mem>> -> memref<1x!tpu.dma_semaphore, #tpu.memory_space<semaphore_mem>>
    %dma_start3A_20 = tpu.memref_squeeze %dma_start3A_19 : memref<1x!tpu.dma_semaphore, #tpu.memory_space<semaphore_mem>> -> memref<!tpu.dma_semaphore, #tpu.memory_space<semaphore_mem>>
    %dma_start3A_21 = arith.constant 128 : i32
    %dma_start3A_22 = tpu.memref_slice %arg5[%dma_start3A_21] : memref<1024xi32, #tpu.memory_space<vmem>> -> memref<128xi32, #tpu.memory_space<vmem>>
    %dma_start3A_23 = tpu.memref_slice %arg2[%add3A_14] : memref<16384xi32, #tpu.memory_space<hbm>> -> memref<128xi32, #tpu.memory_space<hbm>>
    tpu.enqueue_dma source(%dma_start3A_23 : memref<128xi32, #tpu.memory_space<hbm>>) target(%dma_start3A_22 : memref<128xi32, #tpu.memory_space<vmem>>) target_semaphore(%dma_start3A_20 : memref<!tpu.dma_semaphore, #tpu.memory_space<semaphore_mem>>)
    %add3A_24 = arith.constant 256 : i32
    %add3A_25 = arith.addi %mul3A_2, %add3A_24 : i32
    %dma_start3A_26 = arith.constant 2 : i32
    %dma_start3A_27 = arith.constant 256 : i32
    %dma_start3A_28 = tpu.memref_slice %arg5[%dma_start3A_27] : memref<1024xi32, #tpu.memory_space<vmem>> -> memref<128xi32, #tpu.memory_space<vmem>>
    %dma_start3A_29 = tpu.memref_slice %arg2[%add3A_25] : memref<16384xi32, #tpu.memory_space<hbm>> -> memref<128xi32, #tpu.memory_space<hbm>>
    %dma_start3A_30 = tpu.memref_slice %arg7[%dma_start3A_26] : memref<24x!tpu.dma_semaphore, #tpu.memory_space<semaphore_mem>> -> memref<1x!tpu.dma_semaphore, #tpu.memory_space<semaphore_mem>>
    %dma_start3A_31 = tpu.memref_squeeze %dma_start3A_30 : memref<1x!tpu.dma_semaphore, #tpu.memory_space<semaphore_mem>> -> memref<!tpu.dma_semaphore, #tpu.memory_space<semaphore_mem>>
    %dma_start3A_32 = arith.constant 256 : i32
    %dma_start3A_33 = tpu.memref_slice %arg5[%dma_start3A_32] : memref<1024xi32, #tpu.memory_space<vmem>> -> memref<128xi32, #tpu.memory_space<vmem>>
    %dma_start3A_34 = tpu.memref_slice %arg2[%add3A_25] : memref<16384xi32, #tpu.memory_space<hbm>> -> memref<128xi32, #tpu.memory_space<hbm>>
    tpu.enqueue_dma source(%dma_start3A_34 : memref<128xi32, #tpu.memory_space<hbm>>) target(%dma_start3A_33 : memref<128xi32, #tpu.memory_space<vmem>>) target_semaphore(%dma_start3A_31 : memref<!tpu.dma_semaphore, #tpu.memory_space<semaphore_mem>>)
    %add3A_35 = arith.constant 384 : i32
    %add3A_36 = arith.addi %mul3A_2, %add3A_35 : i32
    %dma_start3A_37 = arith.constant 3 : i32
    %dma_start3A_38 = arith.constant 384 : i32
    %dma_start3A_39 = tpu.memref_slice %arg5[%dma_start3A_38] : memref<1024xi32, #tpu.memory_space<vmem>> -> memref<128xi32, #tpu.memory_space<vmem>>
    %dma_start3A_40 = tpu.memref_slice %arg2[%add3A_36] : memref<16384xi32, #tpu.memory_space<hbm>> -> memref<128xi32, #tpu.memory_space<hbm>>
    %dma_start3A_41 = tpu.memref_slice %arg7[%dma_start3A_37] : memref<24x!tpu.dma_semaphore, #tpu.memory_space<semaphore_mem>> -> memref<1x!tpu.dma_semaphore, #tpu.memory_space<semaphore_mem>>
    %dma_start3A_42 = tpu.memref_squeeze %dma_start3A_41 : memref<1x!tpu.dma_semaphore, #tpu.memory_space<semaphore_mem>> -> memref<!tpu.dma_semaphore, #tpu.memory_space<semaphore_mem>>
    %dma_start3A_43 = arith.constant 384 : i32
    %dma_start3A_44 = tpu.memref_slice %arg5[%dma_start3A_43] : memref<1024xi32, #tpu.memory_space<vmem>> -> memref<128xi32, #tpu.memory_space<vmem>>
    %dma_start3A_45 = tpu.memref_slice %arg2[%add3A_36] : memref<16384xi32, #tpu.memory_space<hbm>> -> memref<128xi32, #tpu.memory_space<hbm>>
    tpu.enqueue_dma source(%dma_start3A_45 : memref<128xi32, #tpu.memory_space<hbm>>) target(%dma_start3A_44 : memref<128xi32, #tpu.memory_space<vmem>>) target_semaphore(%dma_start3A_42 : memref<!tpu.dma_semaphore, #tpu.memory_space<semaphore_mem>>)
    %add3A_46 = arith.constant 512 : i32
    %add3A_47 = arith.addi %mul3A_2, %add3A_46 : i32
    %dma_start3A_48 = arith.constant 4 : i32
    %dma_start3A_49 = arith.constant 512 : i32
    %dma_start3A_50 = tpu.memref_slice %arg5[%dma_start3A_49] : memref<1024xi32, #tpu.memory_space<vmem>> -> memref<128xi32, #tpu.memory_space<vmem>>
    %dma_start3A_51 = tpu.memref_slice %arg2[%add3A_47] : memref<16384xi32, #tpu.memory_space<hbm>> -> memref<128xi32, #tpu.memory_space<hbm>>
    %dma_start3A_52 = tpu.memref_slice %arg7[%dma_start3A_48] : memref<24x!tpu.dma_semaphore, #tpu.memory_space<semaphore_mem>> -> memref<1x!tpu.dma_semaphore, #tpu.memory_space<semaphore_mem>>
    %dma_start3A_53 = tpu.memref_squeeze %dma_start3A_52 : memref<1x!tpu.dma_semaphore, #tpu.memory_space<semaphore_mem>> -> memref<!tpu.dma_semaphore, #tpu.memory_space<semaphore_mem>>
    %dma_start3A_54 = arith.constant 512 : i32
    %dma_start3A_55 = tpu.memref_slice %arg5[%dma_start3A_54] : memref<1024xi32, #tpu.memory_space<vmem>> -> memref<128xi32, #tpu.memory_space<vmem>>
    %dma_start3A_56 = tpu.memref_slice %arg2[%add3A_47] : memref<16384xi32, #tpu.memory_space<hbm>> -> memref<128xi32, #tpu.memory_space<hbm>>
    tpu.enqueue_dma source(%dma_start3A_56 : memref<128xi32, #tpu.memory_space<hbm>>) target(%dma_start3A_55 : memref<128xi32, #tpu.memory_space<vmem>>) target_semaphore(%dma_start3A_53 : memref<!tpu.dma_semaphore, #tpu.memory_space<semaphore_mem>>)
    %add3A_57 = arith.constant 640 : i32
    %add3A_58 = arith.addi %mul3A_2, %add3A_57 : i32
    %dma_start3A_59 = arith.constant 5 : i32
    %dma_start3A_60 = arith.constant 640 : i32
    %dma_start3A_61 = tpu.memref_slice %arg5[%dma_start3A_60] : memref<1024xi32, #tpu.memory_space<vmem>> -> memref<128xi32, #tpu.memory_space<vmem>>
    %dma_start3A_62 = tpu.memref_slice %arg2[%add3A_58] : memref<16384xi32, #tpu.memory_space<hbm>> -> memref<128xi32, #tpu.memory_space<hbm>>
    %dma_start3A_63 = tpu.memref_slice %arg7[%dma_start3A_59] : memref<24x!tpu.dma_semaphore, #tpu.memory_space<semaphore_mem>> -> memref<1x!tpu.dma_semaphore, #tpu.memory_space<semaphore_mem>>
    %dma_start3A_64 = tpu.memref_squeeze %dma_start3A_63 : memref<1x!tpu.dma_semaphore, #tpu.memory_space<semaphore_mem>> -> memref<!tpu.dma_semaphore, #tpu.memory_space<semaphore_mem>>
    %dma_start3A_65 = arith.constant 640 : i32
    %dma_start3A_66 = tpu.memref_slice %arg5[%dma_start3A_65] : memref<1024xi32, #tpu.memory_space<vmem>> -> memref<128xi32, #tpu.memory_space<vmem>>
    %dma_start3A_67 = tpu.memref_slice %arg2[%add3A_58] : memref<16384xi32, #tpu.memory_space<hbm>> -> memref<128xi32, #tpu.memory_space<hbm>>
    tpu.enqueue_dma source(%dma_start3A_67 : memref<128xi32, #tpu.memory_space<hbm>>) target(%dma_start3A_66 : memref<128xi32, #tpu.memory_space<vmem>>) target_semaphore(%dma_start3A_64 : memref<!tpu.dma_semaphore, #tpu.memory_space<semaphore_mem>>)
    %add3A_68 = arith.constant 768 : i32
    %add3A_69 = arith.addi %mul3A_2, %add3A_68 : i32
    %dma_start3A_70 = arith.constant 6 : i32
    %dma_start3A_71 = arith.constant 768 : i32
    %dma_start3A_72 = tpu.memref_slice %arg5[%dma_start3A_71] : memref<1024xi32, #tpu.memory_space<vmem>> -> memref<128xi32, #tpu.memory_space<vmem>>
    %dma_start3A_73 = tpu.memref_slice %arg2[%add3A_69] : memref<16384xi32, #tpu.memory_space<hbm>> -> memref<128xi32, #tpu.memory_space<hbm>>
    %dma_start3A_74 = tpu.memref_slice %arg7[%dma_start3A_70] : memref<24x!tpu.dma_semaphore, #tpu.memory_space<semaphore_mem>> -> memref<1x!tpu.dma_semaphore, #tpu.memory_space<semaphore_mem>>
    %dma_start3A_75 = tpu.memref_squeeze %dma_start3A_74 : memref<1x!tpu.dma_semaphore, #tpu.memory_space<semaphore_mem>> -> memref<!tpu.dma_semaphore, #tpu.memory_space<semaphore_mem>>
    %dma_start3A_76 = arith.constant 768 : i32
    %dma_start3A_77 = tpu.memref_slice %arg5[%dma_start3A_76] : memref<1024xi32, #tpu.memory_space<vmem>> -> memref<128xi32, #tpu.memory_space<vmem>>
    %dma_start3A_78 = tpu.memref_slice %arg2[%add3A_69] : memref<16384xi32, #tpu.memory_space<hbm>> -> memref<128xi32, #tpu.memory_space<hbm>>
    tpu.enqueue_dma source(%dma_start3A_78 : memref<128xi32, #tpu.memory_space<hbm>>) target(%dma_start3A_77 : memref<128xi32, #tpu.memory_space<vmem>>) target_semaphore(%dma_start3A_75 : memref<!tpu.dma_semaphore, #tpu.memory_space<semaphore_mem>>)
    %add3A_79 = arith.constant 896 : i32
    %add3A_80 = arith.addi %mul3A_2, %add3A_79 : i32
    %dma_start3A_81 = arith.constant 7 : i32
    %dma_start3A_82 = arith.constant 896 : i32
    %dma_start3A_83 = tpu.memref_slice %arg5[%dma_start3A_82] : memref<1024xi32, #tpu.memory_space<vmem>> -> memref<128xi32, #tpu.memory_space<vmem>>
    %dma_start3A_84 = tpu.memref_slice %arg2[%add3A_80] : memref<16384xi32, #tpu.memory_space<hbm>> -> memref<128xi32, #tpu.memory_space<hbm>>
    %dma_start3A_85 = tpu.memref_slice %arg7[%dma_start3A_81] : memref<24x!tpu.dma_semaphore, #tpu.memory_space<semaphore_mem>> -> memref<1x!tpu.dma_semaphore, #tpu.memory_space<semaphore_mem>>
    %dma_start3A_86 = tpu.memref_squeeze %dma_start3A_85 : memref<1x!tpu.dma_semaphore, #tpu.memory_space<semaphore_mem>> -> memref<!tpu.dma_semaphore, #tpu.memory_space<semaphore_mem>>
    %dma_start3A_87 = arith.constant 896 : i32
    %dma_start3A_88 = tpu.memref_slice %arg5[%dma_start3A_87] : memref<1024xi32, #tpu.memory_space<vmem>> -> memref<128xi32, #tpu.memory_space<vmem>>
    %dma_start3A_89 = tpu.memref_slice %arg2[%add3A_80] : memref<16384xi32, #tpu.memory_space<hbm>> -> memref<128xi32, #tpu.memory_space<hbm>>
    tpu.enqueue_dma source(%dma_start3A_89 : memref<128xi32, #tpu.memory_space<hbm>>) target(%dma_start3A_88 : memref<128xi32, #tpu.memory_space<vmem>>) target_semaphore(%dma_start3A_86 : memref<!tpu.dma_semaphore, #tpu.memory_space<semaphore_mem>>)
    %dma_wait3A = arith.constant 0 : i32
    %dma_wait3A_90 = arith.constant 0 : i32
    %dma_wait3A_91 = tpu.memref_slice %arg5[%dma_wait3A_90] : memref<1024xi32, #tpu.memory_space<vmem>> -> memref<128xi32, #tpu.memory_space<vmem>>
    %dma_wait3A_92 = tpu.memref_slice %arg2[%add3A_4] : memref<16384xi32, #tpu.memory_space<hbm>> -> memref<128xi32, #tpu.memory_space<hbm>>
    %dma_wait3A_93 = tpu.memref_slice %arg7[%dma_wait3A] : memref<24x!tpu.dma_semaphore, #tpu.memory_space<semaphore_mem>> -> memref<1x!tpu.dma_semaphore, #tpu.memory_space<semaphore_mem>>
    %dma_wait3A_94 = tpu.memref_squeeze %dma_wait3A_93 : memref<1x!tpu.dma_semaphore, #tpu.memory_space<semaphore_mem>> -> memref<!tpu.dma_semaphore, #tpu.memory_space<semaphore_mem>>
    %dma_wait3A_95 = arith.constant 0 : i32
    %dma_wait3A_96 = tpu.memref_slice %arg5[%dma_wait3A_95] : memref<1024xi32, #tpu.memory_space<vmem>> -> memref<128xi32, #tpu.memory_space<vmem>>
    %dma_wait3A_97 = tpu.memref_slice %arg2[%add3A_4] : memref<16384xi32, #tpu.memory_space<hbm>> -> memref<128xi32, #tpu.memory_space<hbm>>
    tpu.wait_dma2 semaphore(%dma_wait3A_94 : memref<!tpu.dma_semaphore, #tpu.memory_space<semaphore_mem>>) src(%dma_wait3A_97 : memref<128xi32, #tpu.memory_space<hbm>>) dst(%dma_wait3A_96 : memref<128xi32, #tpu.memory_space<vmem>>)
    %dma_start3A_98 = arith.constant 8 : i32
    %dma_start3A_99 = arith.constant 0 : i32
    %dma_start3A_100 = tpu.memref_slice %arg6[%dma_start3A_99] : memref<1024xf32, #tpu.memory_space<vmem>> -> memref<128xf32, #tpu.memory_space<vmem>>
    %dma_start3A_101 = arith.constant 0 : i32
    %dma_start3A_102 = tpu.memref_slice %arg5[%dma_start3A_101] : memref<1024xi32, #tpu.memory_space<vmem>> -> memref<128xi32, #tpu.memory_space<vmem>>
    %dma_start3A_103 = arith.constant 0 : i32
    %dma_start3A_104 = tpu.memref_slice %arg3[%dma_start3A_103] : memref<1048576xf32, #tpu.memory_space<hbm>> -> memref<1048576xf32, #tpu.memory_space<hbm>>
    %dma_start3A_105 = tpu.memref_slice %arg7[%dma_start3A_98] : memref<24x!tpu.dma_semaphore, #tpu.memory_space<semaphore_mem>> -> memref<1x!tpu.dma_semaphore, #tpu.memory_space<semaphore_mem>>
    %dma_start3A_106 = tpu.memref_squeeze %dma_start3A_105 : memref<1x!tpu.dma_semaphore, #tpu.memory_space<semaphore_mem>> -> memref<!tpu.dma_semaphore, #tpu.memory_space<semaphore_mem>>
    tpu.enqueue_indirect_dma source(%dma_start3A_104 : memref<1048576xf32, #tpu.memory_space<hbm>>) target(%dma_start3A_100 : memref<128xf32, #tpu.memory_space<vmem>>) offsets(%dma_start3A_102 : memref<128xi32, #tpu.memory_space<vmem>>) semaphore(%dma_start3A_106 : memref<!tpu.dma_semaphore, #tpu.memory_space<semaphore_mem>>)
    %dma_wait3A_107 = arith.constant 1 : i32
    %dma_wait3A_108 = arith.constant 128 : i32
    %dma_wait3A_109 = tpu.memref_slice %arg5[%dma_wait3A_108] : memref<1024xi32, #tpu.memory_space<vmem>> -> memref<128xi32, #tpu.memory_space<vmem>>
    %dma_wait3A_110 = tpu.memref_slice %arg2[%add3A_14] : memref<16384xi32, #tpu.memory_space<hbm>> -> memref<128xi32, #tpu.memory_space<hbm>>
    %dma_wait3A_111 = tpu.memref_slice %arg7[%dma_wait3A_107] : memref<24x!tpu.dma_semaphore, #tpu.memory_space<semaphore_mem>> -> memref<1x!tpu.dma_semaphore, #tpu.memory_space<semaphore_mem>>
    %dma_wait3A_112 = tpu.memref_squeeze %dma_wait3A_111 : memref<1x!tpu.dma_semaphore, #tpu.memory_space<semaphore_mem>> -> memref<!tpu.dma_semaphore, #tpu.memory_space<semaphore_mem>>
    %dma_wait3A_113 = arith.constant 128 : i32
    %dma_wait3A_114 = tpu.memref_slice %arg5[%dma_wait3A_113] : memref<1024xi32, #tpu.memory_space<vmem>> -> memref<128xi32, #tpu.memory_space<vmem>>
    %dma_wait3A_115 = tpu.memref_slice %arg2[%add3A_14] : memref<16384xi32, #tpu.memory_space<hbm>> -> memref<128xi32, #tpu.memory_space<hbm>>
    tpu.wait_dma2 semaphore(%dma_wait3A_112 : memref<!tpu.dma_semaphore, #tpu.memory_space<semaphore_mem>>) src(%dma_wait3A_115 : memref<128xi32, #tpu.memory_space<hbm>>) dst(%dma_wait3A_114 : memref<128xi32, #tpu.memory_space<vmem>>)
    %dma_start3A_116 = arith.constant 9 : i32
    %dma_start3A_117 = arith.constant 128 : i32
    %dma_start3A_118 = tpu.memref_slice %arg6[%dma_start3A_117] : memref<1024xf32, #tpu.memory_space<vmem>> -> memref<128xf32, #tpu.memory_space<vmem>>
    %dma_start3A_119 = arith.constant 128 : i32
    %dma_start3A_120 = tpu.memref_slice %arg5[%dma_start3A_119] : memref<1024xi32, #tpu.memory_space<vmem>> -> memref<128xi32, #tpu.memory_space<vmem>>
    %dma_start3A_121 = arith.constant 0 : i32
    %dma_start3A_122 = tpu.memref_slice %arg3[%dma_start3A_121] : memref<1048576xf32, #tpu.memory_space<hbm>> -> memref<1048576xf32, #tpu.memory_space<hbm>>
    %dma_start3A_123 = tpu.memref_slice %arg7[%dma_start3A_116] : memref<24x!tpu.dma_semaphore, #tpu.memory_space<semaphore_mem>> -> memref<1x!tpu.dma_semaphore, #tpu.memory_space<semaphore_mem>>
    %dma_start3A_124 = tpu.memref_squeeze %dma_start3A_123 : memref<1x!tpu.dma_semaphore, #tpu.memory_space<semaphore_mem>> -> memref<!tpu.dma_semaphore, #tpu.memory_space<semaphore_mem>>
    tpu.enqueue_indirect_dma source(%dma_start3A_122 : memref<1048576xf32, #tpu.memory_space<hbm>>) target(%dma_start3A_118 : memref<128xf32, #tpu.memory_space<vmem>>) offsets(%dma_start3A_120 : memref<128xi32, #tpu.memory_space<vmem>>) semaphore(%dma_start3A_124 : memref<!tpu.dma_semaphore, #tpu.memory_space<semaphore_mem>>)
    %dma_wait3A_125 = arith.constant 2 : i32
    %dma_wait3A_126 = arith.constant 256 : i32
    %dma_wait3A_127 = tpu.memref_slice %arg5[%dma_wait3A_126] : memref<1024xi32, #tpu.memory_space<vmem>> -> memref<128xi32, #tpu.memory_space<vmem>>
    %dma_wait3A_128 = tpu.memref_slice %arg2[%add3A_25] : memref<16384xi32, #tpu.memory_space<hbm>> -> memref<128xi32, #tpu.memory_space<hbm>>
    %dma_wait3A_129 = tpu.memref_slice %arg7[%dma_wait3A_125] : memref<24x!tpu.dma_semaphore, #tpu.memory_space<semaphore_mem>> -> memref<1x!tpu.dma_semaphore, #tpu.memory_space<semaphore_mem>>
    %dma_wait3A_130 = tpu.memref_squeeze %dma_wait3A_129 : memref<1x!tpu.dma_semaphore, #tpu.memory_space<semaphore_mem>> -> memref<!tpu.dma_semaphore, #tpu.memory_space<semaphore_mem>>
    %dma_wait3A_131 = arith.constant 256 : i32
    %dma_wait3A_132 = tpu.memref_slice %arg5[%dma_wait3A_131] : memref<1024xi32, #tpu.memory_space<vmem>> -> memref<128xi32, #tpu.memory_space<vmem>>
    %dma_wait3A_133 = tpu.memref_slice %arg2[%add3A_25] : memref<16384xi32, #tpu.memory_space<hbm>> -> memref<128xi32, #tpu.memory_space<hbm>>
    tpu.wait_dma2 semaphore(%dma_wait3A_130 : memref<!tpu.dma_semaphore, #tpu.memory_space<semaphore_mem>>) src(%dma_wait3A_133 : memref<128xi32, #tpu.memory_space<hbm>>) dst(%dma_wait3A_132 : memref<128xi32, #tpu.memory_space<vmem>>)
    %dma_start3A_134 = arith.constant 10 : i32
    %dma_start3A_135 = arith.constant 256 : i32
    %dma_start3A_136 = tpu.memref_slice %arg6[%dma_start3A_135] : memref<1024xf32, #tpu.memory_space<vmem>> -> memref<128xf32, #tpu.memory_space<vmem>>
    %dma_start3A_137 = arith.constant 256 : i32
    %dma_start3A_138 = tpu.memref_slice %arg5[%dma_start3A_137] : memref<1024xi32, #tpu.memory_space<vmem>> -> memref<128xi32, #tpu.memory_space<vmem>>
    %dma_start3A_139 = arith.constant 0 : i32
    %dma_start3A_140 = tpu.memref_slice %arg3[%dma_start3A_139] : memref<1048576xf32, #tpu.memory_space<hbm>> -> memref<1048576xf32, #tpu.memory_space<hbm>>
    %dma_start3A_141 = tpu.memref_slice %arg7[%dma_start3A_134] : memref<24x!tpu.dma_semaphore, #tpu.memory_space<semaphore_mem>> -> memref<1x!tpu.dma_semaphore, #tpu.memory_space<semaphore_mem>>
    %dma_start3A_142 = tpu.memref_squeeze %dma_start3A_141 : memref<1x!tpu.dma_semaphore, #tpu.memory_space<semaphore_mem>> -> memref<!tpu.dma_semaphore, #tpu.memory_space<semaphore_mem>>
    tpu.enqueue_indirect_dma source(%dma_start3A_140 : memref<1048576xf32, #tpu.memory_space<hbm>>) target(%dma_start3A_136 : memref<128xf32, #tpu.memory_space<vmem>>) offsets(%dma_start3A_138 : memref<128xi32, #tpu.memory_space<vmem>>) semaphore(%dma_start3A_142 : memref<!tpu.dma_semaphore, #tpu.memory_space<semaphore_mem>>)
    %dma_wait3A_143 = arith.constant 3 : i32
    %dma_wait3A_144 = arith.constant 384 : i32
    %dma_wait3A_145 = tpu.memref_slice %arg5[%dma_wait3A_144] : memref<1024xi32, #tpu.memory_space<vmem>> -> memref<128xi32, #tpu.memory_space<vmem>>
    %dma_wait3A_146 = tpu.memref_slice %arg2[%add3A_36] : memref<16384xi32, #tpu.memory_space<hbm>> -> memref<128xi32, #tpu.memory_space<hbm>>
    %dma_wait3A_147 = tpu.memref_slice %arg7[%dma_wait3A_143] : memref<24x!tpu.dma_semaphore, #tpu.memory_space<semaphore_mem>> -> memref<1x!tpu.dma_semaphore, #tpu.memory_space<semaphore_mem>>
    %dma_wait3A_148 = tpu.memref_squeeze %dma_wait3A_147 : memref<1x!tpu.dma_semaphore, #tpu.memory_space<semaphore_mem>> -> memref<!tpu.dma_semaphore, #tpu.memory_space<semaphore_mem>>
    %dma_wait3A_149 = arith.constant 384 : i32
    %dma_wait3A_150 = tpu.memref_slice %arg5[%dma_wait3A_149] : memref<1024xi32, #tpu.memory_space<vmem>> -> memref<128xi32, #tpu.memory_space<vmem>>
    %dma_wait3A_151 = tpu.memref_slice %arg2[%add3A_36] : memref<16384xi32, #tpu.memory_space<hbm>> -> memref<128xi32, #tpu.memory_space<hbm>>
    tpu.wait_dma2 semaphore(%dma_wait3A_148 : memref<!tpu.dma_semaphore, #tpu.memory_space<semaphore_mem>>) src(%dma_wait3A_151 : memref<128xi32, #tpu.memory_space<hbm>>) dst(%dma_wait3A_150 : memref<128xi32, #tpu.memory_space<vmem>>)
    %dma_start3A_152 = arith.constant 11 : i32
    %dma_start3A_153 = arith.constant 384 : i32
    %dma_start3A_154 = tpu.memref_slice %arg6[%dma_start3A_153] : memref<1024xf32, #tpu.memory_space<vmem>> -> memref<128xf32, #tpu.memory_space<vmem>>
    %dma_start3A_155 = arith.constant 384 : i32
    %dma_start3A_156 = tpu.memref_slice %arg5[%dma_start3A_155] : memref<1024xi32, #tpu.memory_space<vmem>> -> memref<128xi32, #tpu.memory_space<vmem>>
    %dma_start3A_157 = arith.constant 0 : i32
    %dma_start3A_158 = tpu.memref_slice %arg3[%dma_start3A_157] : memref<1048576xf32, #tpu.memory_space<hbm>> -> memref<1048576xf32, #tpu.memory_space<hbm>>
    %dma_start3A_159 = tpu.memref_slice %arg7[%dma_start3A_152] : memref<24x!tpu.dma_semaphore, #tpu.memory_space<semaphore_mem>> -> memref<1x!tpu.dma_semaphore, #tpu.memory_space<semaphore_mem>>
    %dma_start3A_160 = tpu.memref_squeeze %dma_start3A_159 : memref<1x!tpu.dma_semaphore, #tpu.memory_space<semaphore_mem>> -> memref<!tpu.dma_semaphore, #tpu.memory_space<semaphore_mem>>
    tpu.enqueue_indirect_dma source(%dma_start3A_158 : memref<1048576xf32, #tpu.memory_space<hbm>>) target(%dma_start3A_154 : memref<128xf32, #tpu.memory_space<vmem>>) offsets(%dma_start3A_156 : memref<128xi32, #tpu.memory_space<vmem>>) semaphore(%dma_start3A_160 : memref<!tpu.dma_semaphore, #tpu.memory_space<semaphore_mem>>)
    %dma_wait3A_161 = arith.constant 4 : i32
    %dma_wait3A_162 = arith.constant 512 : i32
    %dma_wait3A_163 = tpu.memref_slice %arg5[%dma_wait3A_162] : memref<1024xi32, #tpu.memory_space<vmem>> -> memref<128xi32, #tpu.memory_space<vmem>>
    %dma_wait3A_164 = tpu.memref_slice %arg2[%add3A_47] : memref<16384xi32, #tpu.memory_space<hbm>> -> memref<128xi32, #tpu.memory_space<hbm>>
    %dma_wait3A_165 = tpu.memref_slice %arg7[%dma_wait3A_161] : memref<24x!tpu.dma_semaphore, #tpu.memory_space<semaphore_mem>> -> memref<1x!tpu.dma_semaphore, #tpu.memory_space<semaphore_mem>>
    %dma_wait3A_166 = tpu.memref_squeeze %dma_wait3A_165 : memref<1x!tpu.dma_semaphore, #tpu.memory_space<semaphore_mem>> -> memref<!tpu.dma_semaphore, #tpu.memory_space<semaphore_mem>>
    %dma_wait3A_167 = arith.constant 512 : i32
    %dma_wait3A_168 = tpu.memref_slice %arg5[%dma_wait3A_167] : memref<1024xi32, #tpu.memory_space<vmem>> -> memref<128xi32, #tpu.memory_space<vmem>>
    %dma_wait3A_169 = tpu.memref_slice %arg2[%add3A_47] : memref<16384xi32, #tpu.memory_space<hbm>> -> memref<128xi32, #tpu.memory_space<hbm>>
    tpu.wait_dma2 semaphore(%dma_wait3A_166 : memref<!tpu.dma_semaphore, #tpu.memory_space<semaphore_mem>>) src(%dma_wait3A_169 : memref<128xi32, #tpu.memory_space<hbm>>) dst(%dma_wait3A_168 : memref<128xi32, #tpu.memory_space<vmem>>)
    %dma_start3A_170 = arith.constant 12 : i32
    %dma_start3A_171 = arith.constant 512 : i32
    %dma_start3A_172 = tpu.memref_slice %arg6[%dma_start3A_171] : memref<1024xf32, #tpu.memory_space<vmem>> -> memref<128xf32, #tpu.memory_space<vmem>>
    %dma_start3A_173 = arith.constant 512 : i32
    %dma_start3A_174 = tpu.memref_slice %arg5[%dma_start3A_173] : memref<1024xi32, #tpu.memory_space<vmem>> -> memref<128xi32, #tpu.memory_space<vmem>>
    %dma_start3A_175 = arith.constant 0 : i32
    %dma_start3A_176 = tpu.memref_slice %arg3[%dma_start3A_175] : memref<1048576xf32, #tpu.memory_space<hbm>> -> memref<1048576xf32, #tpu.memory_space<hbm>>
    %dma_start3A_177 = tpu.memref_slice %arg7[%dma_start3A_170] : memref<24x!tpu.dma_semaphore, #tpu.memory_space<semaphore_mem>> -> memref<1x!tpu.dma_semaphore, #tpu.memory_space<semaphore_mem>>
    %dma_start3A_178 = tpu.memref_squeeze %dma_start3A_177 : memref<1x!tpu.dma_semaphore, #tpu.memory_space<semaphore_mem>> -> memref<!tpu.dma_semaphore, #tpu.memory_space<semaphore_mem>>
    tpu.enqueue_indirect_dma source(%dma_start3A_176 : memref<1048576xf32, #tpu.memory_space<hbm>>) target(%dma_start3A_172 : memref<128xf32, #tpu.memory_space<vmem>>) offsets(%dma_start3A_174 : memref<128xi32, #tpu.memory_space<vmem>>) semaphore(%dma_start3A_178 : memref<!tpu.dma_semaphore, #tpu.memory_space<semaphore_mem>>)
    %dma_wait3A_179 = arith.constant 5 : i32
    %dma_wait3A_180 = arith.constant 640 : i32
    %dma_wait3A_181 = tpu.memref_slice %arg5[%dma_wait3A_180] : memref<1024xi32, #tpu.memory_space<vmem>> -> memref<128xi32, #tpu.memory_space<vmem>>
    %dma_wait3A_182 = tpu.memref_slice %arg2[%add3A_58] : memref<16384xi32, #tpu.memory_space<hbm>> -> memref<128xi32, #tpu.memory_space<hbm>>
    %dma_wait3A_183 = tpu.memref_slice %arg7[%dma_wait3A_179] : memref<24x!tpu.dma_semaphore, #tpu.memory_space<semaphore_mem>> -> memref<1x!tpu.dma_semaphore, #tpu.memory_space<semaphore_mem>>
    %dma_wait3A_184 = tpu.memref_squeeze %dma_wait3A_183 : memref<1x!tpu.dma_semaphore, #tpu.memory_space<semaphore_mem>> -> memref<!tpu.dma_semaphore, #tpu.memory_space<semaphore_mem>>
    %dma_wait3A_185 = arith.constant 640 : i32
    %dma_wait3A_186 = tpu.memref_slice %arg5[%dma_wait3A_185] : memref<1024xi32, #tpu.memory_space<vmem>> -> memref<128xi32, #tpu.memory_space<vmem>>
    %dma_wait3A_187 = tpu.memref_slice %arg2[%add3A_58] : memref<16384xi32, #tpu.memory_space<hbm>> -> memref<128xi32, #tpu.memory_space<hbm>>
    tpu.wait_dma2 semaphore(%dma_wait3A_184 : memref<!tpu.dma_semaphore, #tpu.memory_space<semaphore_mem>>) src(%dma_wait3A_187 : memref<128xi32, #tpu.memory_space<hbm>>) dst(%dma_wait3A_186 : memref<128xi32, #tpu.memory_space<vmem>>)
    %dma_start3A_188 = arith.constant 13 : i32
    %dma_start3A_189 = arith.constant 640 : i32
    %dma_start3A_190 = tpu.memref_slice %arg6[%dma_start3A_189] : memref<1024xf32, #tpu.memory_space<vmem>> -> memref<128xf32, #tpu.memory_space<vmem>>
    %dma_start3A_191 = arith.constant 640 : i32
    %dma_start3A_192 = tpu.memref_slice %arg5[%dma_start3A_191] : memref<1024xi32, #tpu.memory_space<vmem>> -> memref<128xi32, #tpu.memory_space<vmem>>
    %dma_start3A_193 = arith.constant 0 : i32
    %dma_start3A_194 = tpu.memref_slice %arg3[%dma_start3A_193] : memref<1048576xf32, #tpu.memory_space<hbm>> -> memref<1048576xf32, #tpu.memory_space<hbm>>
    %dma_start3A_195 = tpu.memref_slice %arg7[%dma_start3A_188] : memref<24x!tpu.dma_semaphore, #tpu.memory_space<semaphore_mem>> -> memref<1x!tpu.dma_semaphore, #tpu.memory_space<semaphore_mem>>
    %dma_start3A_196 = tpu.memref_squeeze %dma_start3A_195 : memref<1x!tpu.dma_semaphore, #tpu.memory_space<semaphore_mem>> -> memref<!tpu.dma_semaphore, #tpu.memory_space<semaphore_mem>>
    tpu.enqueue_indirect_dma source(%dma_start3A_194 : memref<1048576xf32, #tpu.memory_space<hbm>>) target(%dma_start3A_190 : memref<128xf32, #tpu.memory_space<vmem>>) offsets(%dma_start3A_192 : memref<128xi32, #tpu.memory_space<vmem>>) semaphore(%dma_start3A_196 : memref<!tpu.dma_semaphore, #tpu.memory_space<semaphore_mem>>)
    %dma_wait3A_197 = arith.constant 6 : i32
    %dma_wait3A_198 = arith.constant 768 : i32
    %dma_wait3A_199 = tpu.memref_slice %arg5[%dma_wait3A_198] : memref<1024xi32, #tpu.memory_space<vmem>> -> memref<128xi32, #tpu.memory_space<vmem>>
    %dma_wait3A_200 = tpu.memref_slice %arg2[%add3A_69] : memref<16384xi32, #tpu.memory_space<hbm>> -> memref<128xi32, #tpu.memory_space<hbm>>
    %dma_wait3A_201 = tpu.memref_slice %arg7[%dma_wait3A_197] : memref<24x!tpu.dma_semaphore, #tpu.memory_space<semaphore_mem>> -> memref<1x!tpu.dma_semaphore, #tpu.memory_space<semaphore_mem>>
    %dma_wait3A_202 = tpu.memref_squeeze %dma_wait3A_201 : memref<1x!tpu.dma_semaphore, #tpu.memory_space<semaphore_mem>> -> memref<!tpu.dma_semaphore, #tpu.memory_space<semaphore_mem>>
    %dma_wait3A_203 = arith.constant 768 : i32
    %dma_wait3A_204 = tpu.memref_slice %arg5[%dma_wait3A_203] : memref<1024xi32, #tpu.memory_space<vmem>> -> memref<128xi32, #tpu.memory_space<vmem>>
    %dma_wait3A_205 = tpu.memref_slice %arg2[%add3A_69] : memref<16384xi32, #tpu.memory_space<hbm>> -> memref<128xi32, #tpu.memory_space<hbm>>
    tpu.wait_dma2 semaphore(%dma_wait3A_202 : memref<!tpu.dma_semaphore, #tpu.memory_space<semaphore_mem>>) src(%dma_wait3A_205 : memref<128xi32, #tpu.memory_space<hbm>>) dst(%dma_wait3A_204 : memref<128xi32, #tpu.memory_space<vmem>>)
    %dma_start3A_206 = arith.constant 14 : i32
    %dma_start3A_207 = arith.constant 768 : i32
    %dma_start3A_208 = tpu.memref_slice %arg6[%dma_start3A_207] : memref<1024xf32, #tpu.memory_space<vmem>> -> memref<128xf32, #tpu.memory_space<vmem>>
    %dma_start3A_209 = arith.constant 768 : i32
    %dma_start3A_210 = tpu.memref_slice %arg5[%dma_start3A_209] : memref<1024xi32, #tpu.memory_space<vmem>> -> memref<128xi32, #tpu.memory_space<vmem>>
    %dma_start3A_211 = arith.constant 0 : i32
    %dma_start3A_212 = tpu.memref_slice %arg3[%dma_start3A_211] : memref<1048576xf32, #tpu.memory_space<hbm>> -> memref<1048576xf32, #tpu.memory_space<hbm>>
    %dma_start3A_213 = tpu.memref_slice %arg7[%dma_start3A_206] : memref<24x!tpu.dma_semaphore, #tpu.memory_space<semaphore_mem>> -> memref<1x!tpu.dma_semaphore, #tpu.memory_space<semaphore_mem>>
    %dma_start3A_214 = tpu.memref_squeeze %dma_start3A_213 : memref<1x!tpu.dma_semaphore, #tpu.memory_space<semaphore_mem>> -> memref<!tpu.dma_semaphore, #tpu.memory_space<semaphore_mem>>
    tpu.enqueue_indirect_dma source(%dma_start3A_212 : memref<1048576xf32, #tpu.memory_space<hbm>>) target(%dma_start3A_208 : memref<128xf32, #tpu.memory_space<vmem>>) offsets(%dma_start3A_210 : memref<128xi32, #tpu.memory_space<vmem>>) semaphore(%dma_start3A_214 : memref<!tpu.dma_semaphore, #tpu.memory_space<semaphore_mem>>)
    %dma_wait3A_215 = arith.constant 7 : i32
    %dma_wait3A_216 = arith.constant 896 : i32
    %dma_wait3A_217 = tpu.memref_slice %arg5[%dma_wait3A_216] : memref<1024xi32, #tpu.memory_space<vmem>> -> memref<128xi32, #tpu.memory_space<vmem>>
    %dma_wait3A_218 = tpu.memref_slice %arg2[%add3A_80] : memref<16384xi32, #tpu.memory_space<hbm>> -> memref<128xi32, #tpu.memory_space<hbm>>
    %dma_wait3A_219 = tpu.memref_slice %arg7[%dma_wait3A_215] : memref<24x!tpu.dma_semaphore, #tpu.memory_space<semaphore_mem>> -> memref<1x!tpu.dma_semaphore, #tpu.memory_space<semaphore_mem>>
    %dma_wait3A_220 = tpu.memref_squeeze %dma_wait3A_219 : memref<1x!tpu.dma_semaphore, #tpu.memory_space<semaphore_mem>> -> memref<!tpu.dma_semaphore, #tpu.memory_space<semaphore_mem>>
    %dma_wait3A_221 = arith.constant 896 : i32
    %dma_wait3A_222 = tpu.memref_slice %arg5[%dma_wait3A_221] : memref<1024xi32, #tpu.memory_space<vmem>> -> memref<128xi32, #tpu.memory_space<vmem>>
    %dma_wait3A_223 = tpu.memref_slice %arg2[%add3A_80] : memref<16384xi32, #tpu.memory_space<hbm>> -> memref<128xi32, #tpu.memory_space<hbm>>
    tpu.wait_dma2 semaphore(%dma_wait3A_220 : memref<!tpu.dma_semaphore, #tpu.memory_space<semaphore_mem>>) src(%dma_wait3A_223 : memref<128xi32, #tpu.memory_space<hbm>>) dst(%dma_wait3A_222 : memref<128xi32, #tpu.memory_space<vmem>>)
    %dma_start3A_224 = arith.constant 15 : i32
    %dma_start3A_225 = arith.constant 896 : i32
    %dma_start3A_226 = tpu.memref_slice %arg6[%dma_start3A_225] : memref<1024xf32, #tpu.memory_space<vmem>> -> memref<128xf32, #tpu.memory_space<vmem>>
    %dma_start3A_227 = arith.constant 896 : i32
    %dma_start3A_228 = tpu.memref_slice %arg5[%dma_start3A_227] : memref<1024xi32, #tpu.memory_space<vmem>> -> memref<128xi32, #tpu.memory_space<vmem>>
    %dma_start3A_229 = arith.constant 0 : i32
    %dma_start3A_230 = tpu.memref_slice %arg3[%dma_start3A_229] : memref<1048576xf32, #tpu.memory_space<hbm>> -> memref<1048576xf32, #tpu.memory_space<hbm>>
    %dma_start3A_231 = tpu.memref_slice %arg7[%dma_start3A_224] : memref<24x!tpu.dma_semaphore, #tpu.memory_space<semaphore_mem>> -> memref<1x!tpu.dma_semaphore, #tpu.memory_space<semaphore_mem>>
    %dma_start3A_232 = tpu.memref_squeeze %dma_start3A_231 : memref<1x!tpu.dma_semaphore, #tpu.memory_space<semaphore_mem>> -> memref<!tpu.dma_semaphore, #tpu.memory_space<semaphore_mem>>
    tpu.enqueue_indirect_dma source(%dma_start3A_230 : memref<1048576xf32, #tpu.memory_space<hbm>>) target(%dma_start3A_226 : memref<128xf32, #tpu.memory_space<vmem>>) offsets(%dma_start3A_228 : memref<128xi32, #tpu.memory_space<vmem>>) semaphore(%dma_start3A_232 : memref<!tpu.dma_semaphore, #tpu.memory_space<semaphore_mem>>)
    %dma_wait3A_233 = arith.constant 8 : i32
    %dma_wait3A_234 = arith.constant 0 : i32
    %dma_wait3A_235 = tpu.memref_slice %arg6[%dma_wait3A_234] : memref<1024xf32, #tpu.memory_space<vmem>> -> memref<128xf32, #tpu.memory_space<vmem>>
    %dma_wait3A_236 = arith.constant 0 : i32
    %dma_wait3A_237 = tpu.memref_slice %arg5[%dma_wait3A_236] : memref<1024xi32, #tpu.memory_space<vmem>> -> memref<128xi32, #tpu.memory_space<vmem>>
    %dma_wait3A_238 = arith.constant 0 : i32
    %dma_wait3A_239 = tpu.memref_slice %arg3[%dma_wait3A_238] : memref<1048576xf32, #tpu.memory_space<hbm>> -> memref<1048576xf32, #tpu.memory_space<hbm>>
    %dma_wait3A_240 = tpu.memref_slice %arg7[%dma_wait3A_233] : memref<24x!tpu.dma_semaphore, #tpu.memory_space<semaphore_mem>> -> memref<1x!tpu.dma_semaphore, #tpu.memory_space<semaphore_mem>>
    %dma_wait3A_241 = tpu.memref_squeeze %dma_wait3A_240 : memref<1x!tpu.dma_semaphore, #tpu.memory_space<semaphore_mem>> -> memref<!tpu.dma_semaphore, #tpu.memory_space<semaphore_mem>>
    tpu.wait_indirect_dma semaphore(%dma_wait3A_241 : memref<!tpu.dma_semaphore, #tpu.memory_space<semaphore_mem>>) src(%dma_wait3A_239 : memref<1048576xf32, #tpu.memory_space<hbm>>) dst(%dma_wait3A_235 : memref<128xf32, #tpu.memory_space<vmem>>)
    %add3A_242 = arith.constant 0 : i32
    %add3A_243 = arith.addi %mul3A_2, %add3A_242 : i32
    %dma_start3A_244 = arith.constant 16 : i32
    %dma_start3A_245 = arith.constant 0 : i32
    %dma_start3A_246 = tpu.memref_slice %arg6[%dma_start3A_245] : memref<1024xf32, #tpu.memory_space<vmem>> -> memref<128xf32, #tpu.memory_space<vmem>>
    %dma_start3A_247 = tpu.memref_slice %arg4[%add3A_243] : memref<16384xf32, #tpu.memory_space<hbm>> -> memref<128xf32, #tpu.memory_space<hbm>>
    %dma_start3A_248 = tpu.memref_slice %arg7[%dma_start3A_244] : memref<24x!tpu.dma_semaphore, #tpu.memory_space<semaphore_mem>> -> memref<1x!tpu.dma_semaphore, #tpu.memory_space<semaphore_mem>>
    %dma_start3A_249 = tpu.memref_squeeze %dma_start3A_248 : memref<1x!tpu.dma_semaphore, #tpu.memory_space<semaphore_mem>> -> memref<!tpu.dma_semaphore, #tpu.memory_space<semaphore_mem>>
    %dma_start3A_250 = tpu.memref_slice %arg4[%add3A_243] : memref<16384xf32, #tpu.memory_space<hbm>> -> memref<128xf32, #tpu.memory_space<hbm>>
    %dma_start3A_251 = arith.constant 0 : i32
    %dma_start3A_252 = tpu.memref_slice %arg6[%dma_start3A_251] : memref<1024xf32, #tpu.memory_space<vmem>> -> memref<128xf32, #tpu.memory_space<vmem>>
    tpu.enqueue_dma source(%dma_start3A_252 : memref<128xf32, #tpu.memory_space<vmem>>) target(%dma_start3A_250 : memref<128xf32, #tpu.memory_space<hbm>>) target_semaphore(%dma_start3A_249 : memref<!tpu.dma_semaphore, #tpu.memory_space<semaphore_mem>>)
    %dma_wait3A_253 = arith.constant 9 : i32
    %dma_wait3A_254 = arith.constant 128 : i32
    %dma_wait3A_255 = tpu.memref_slice %arg6[%dma_wait3A_254] : memref<1024xf32, #tpu.memory_space<vmem>> -> memref<128xf32, #tpu.memory_space<vmem>>
    %dma_wait3A_256 = arith.constant 128 : i32
    %dma_wait3A_257 = tpu.memref_slice %arg5[%dma_wait3A_256] : memref<1024xi32, #tpu.memory_space<vmem>> -> memref<128xi32, #tpu.memory_space<vmem>>
    %dma_wait3A_258 = arith.constant 0 : i32
    %dma_wait3A_259 = tpu.memref_slice %arg3[%dma_wait3A_258] : memref<1048576xf32, #tpu.memory_space<hbm>> -> memref<1048576xf32, #tpu.memory_space<hbm>>
    %dma_wait3A_260 = tpu.memref_slice %arg7[%dma_wait3A_253] : memref<24x!tpu.dma_semaphore, #tpu.memory_space<semaphore_mem>> -> memref<1x!tpu.dma_semaphore, #tpu.memory_space<semaphore_mem>>
    %dma_wait3A_261 = tpu.memref_squeeze %dma_wait3A_260 : memref<1x!tpu.dma_semaphore, #tpu.memory_space<semaphore_mem>> -> memref<!tpu.dma_semaphore, #tpu.memory_space<semaphore_mem>>
    tpu.wait_indirect_dma semaphore(%dma_wait3A_261 : memref<!tpu.dma_semaphore, #tpu.memory_space<semaphore_mem>>) src(%dma_wait3A_259 : memref<1048576xf32, #tpu.memory_space<hbm>>) dst(%dma_wait3A_255 : memref<128xf32, #tpu.memory_space<vmem>>)
    %add3A_262 = arith.constant 128 : i32
    %add3A_263 = arith.addi %mul3A_2, %add3A_262 : i32
    %dma_start3A_264 = arith.constant 17 : i32
    %dma_start3A_265 = arith.constant 128 : i32
    %dma_start3A_266 = tpu.memref_slice %arg6[%dma_start3A_265] : memref<1024xf32, #tpu.memory_space<vmem>> -> memref<128xf32, #tpu.memory_space<vmem>>
    %dma_start3A_267 = tpu.memref_slice %arg4[%add3A_263] : memref<16384xf32, #tpu.memory_space<hbm>> -> memref<128xf32, #tpu.memory_space<hbm>>
    %dma_start3A_268 = tpu.memref_slice %arg7[%dma_start3A_264] : memref<24x!tpu.dma_semaphore, #tpu.memory_space<semaphore_mem>> -> memref<1x!tpu.dma_semaphore, #tpu.memory_space<semaphore_mem>>
    %dma_start3A_269 = tpu.memref_squeeze %dma_start3A_268 : memref<1x!tpu.dma_semaphore, #tpu.memory_space<semaphore_mem>> -> memref<!tpu.dma_semaphore, #tpu.memory_space<semaphore_mem>>
    %dma_start3A_270 = tpu.memref_slice %arg4[%add3A_263] : memref<16384xf32, #tpu.memory_space<hbm>> -> memref<128xf32, #tpu.memory_space<hbm>>
    %dma_start3A_271 = arith.constant 128 : i32
    %dma_start3A_272 = tpu.memref_slice %arg6[%dma_start3A_271] : memref<1024xf32, #tpu.memory_space<vmem>> -> memref<128xf32, #tpu.memory_space<vmem>>
    tpu.enqueue_dma source(%dma_start3A_272 : memref<128xf32, #tpu.memory_space<vmem>>) target(%dma_start3A_270 : memref<128xf32, #tpu.memory_space<hbm>>) target_semaphore(%dma_start3A_269 : memref<!tpu.dma_semaphore, #tpu.memory_space<semaphore_mem>>)
    %dma_wait3A_273 = arith.constant 10 : i32
    %dma_wait3A_274 = arith.constant 256 : i32
    %dma_wait3A_275 = tpu.memref_slice %arg6[%dma_wait3A_274] : memref<1024xf32, #tpu.memory_space<vmem>> -> memref<128xf32, #tpu.memory_space<vmem>>
    %dma_wait3A_276 = arith.constant 256 : i32
    %dma_wait3A_277 = tpu.memref_slice %arg5[%dma_wait3A_276] : memref<1024xi32, #tpu.memory_space<vmem>> -> memref<128xi32, #tpu.memory_space<vmem>>
    %dma_wait3A_278 = arith.constant 0 : i32
    %dma_wait3A_279 = tpu.memref_slice %arg3[%dma_wait3A_278] : memref<1048576xf32, #tpu.memory_space<hbm>> -> memref<1048576xf32, #tpu.memory_space<hbm>>
    %dma_wait3A_280 = tpu.memref_slice %arg7[%dma_wait3A_273] : memref<24x!tpu.dma_semaphore, #tpu.memory_space<semaphore_mem>> -> memref<1x!tpu.dma_semaphore, #tpu.memory_space<semaphore_mem>>
    %dma_wait3A_281 = tpu.memref_squeeze %dma_wait3A_280 : memref<1x!tpu.dma_semaphore, #tpu.memory_space<semaphore_mem>> -> memref<!tpu.dma_semaphore, #tpu.memory_space<semaphore_mem>>
    tpu.wait_indirect_dma semaphore(%dma_wait3A_281 : memref<!tpu.dma_semaphore, #tpu.memory_space<semaphore_mem>>) src(%dma_wait3A_279 : memref<1048576xf32, #tpu.memory_space<hbm>>) dst(%dma_wait3A_275 : memref<128xf32, #tpu.memory_space<vmem>>)
    %add3A_282 = arith.constant 256 : i32
    %add3A_283 = arith.addi %mul3A_2, %add3A_282 : i32
    %dma_start3A_284 = arith.constant 18 : i32
    %dma_start3A_285 = arith.constant 256 : i32
    %dma_start3A_286 = tpu.memref_slice %arg6[%dma_start3A_285] : memref<1024xf32, #tpu.memory_space<vmem>> -> memref<128xf32, #tpu.memory_space<vmem>>
    %dma_start3A_287 = tpu.memref_slice %arg4[%add3A_283] : memref<16384xf32, #tpu.memory_space<hbm>> -> memref<128xf32, #tpu.memory_space<hbm>>
    %dma_start3A_288 = tpu.memref_slice %arg7[%dma_start3A_284] : memref<24x!tpu.dma_semaphore, #tpu.memory_space<semaphore_mem>> -> memref<1x!tpu.dma_semaphore, #tpu.memory_space<semaphore_mem>>
    %dma_start3A_289 = tpu.memref_squeeze %dma_start3A_288 : memref<1x!tpu.dma_semaphore, #tpu.memory_space<semaphore_mem>> -> memref<!tpu.dma_semaphore, #tpu.memory_space<semaphore_mem>>
    %dma_start3A_290 = tpu.memref_slice %arg4[%add3A_283] : memref<16384xf32, #tpu.memory_space<hbm>> -> memref<128xf32, #tpu.memory_space<hbm>>
    %dma_start3A_291 = arith.constant 256 : i32
    %dma_start3A_292 = tpu.memref_slice %arg6[%dma_start3A_291] : memref<1024xf32, #tpu.memory_space<vmem>> -> memref<128xf32, #tpu.memory_space<vmem>>
    tpu.enqueue_dma source(%dma_start3A_292 : memref<128xf32, #tpu.memory_space<vmem>>) target(%dma_start3A_290 : memref<128xf32, #tpu.memory_space<hbm>>) target_semaphore(%dma_start3A_289 : memref<!tpu.dma_semaphore, #tpu.memory_space<semaphore_mem>>)
    %dma_wait3A_293 = arith.constant 11 : i32
    %dma_wait3A_294 = arith.constant 384 : i32
    %dma_wait3A_295 = tpu.memref_slice %arg6[%dma_wait3A_294] : memref<1024xf32, #tpu.memory_space<vmem>> -> memref<128xf32, #tpu.memory_space<vmem>>
    %dma_wait3A_296 = arith.constant 384 : i32
    %dma_wait3A_297 = tpu.memref_slice %arg5[%dma_wait3A_296] : memref<1024xi32, #tpu.memory_space<vmem>> -> memref<128xi32, #tpu.memory_space<vmem>>
    %dma_wait3A_298 = arith.constant 0 : i32
    %dma_wait3A_299 = tpu.memref_slice %arg3[%dma_wait3A_298] : memref<1048576xf32, #tpu.memory_space<hbm>> -> memref<1048576xf32, #tpu.memory_space<hbm>>
    %dma_wait3A_300 = tpu.memref_slice %arg7[%dma_wait3A_293] : memref<24x!tpu.dma_semaphore, #tpu.memory_space<semaphore_mem>> -> memref<1x!tpu.dma_semaphore, #tpu.memory_space<semaphore_mem>>
    %dma_wait3A_301 = tpu.memref_squeeze %dma_wait3A_300 : memref<1x!tpu.dma_semaphore, #tpu.memory_space<semaphore_mem>> -> memref<!tpu.dma_semaphore, #tpu.memory_space<semaphore_mem>>
    tpu.wait_indirect_dma semaphore(%dma_wait3A_301 : memref<!tpu.dma_semaphore, #tpu.memory_space<semaphore_mem>>) src(%dma_wait3A_299 : memref<1048576xf32, #tpu.memory_space<hbm>>) dst(%dma_wait3A_295 : memref<128xf32, #tpu.memory_space<vmem>>)
    %add3A_302 = arith.constant 384 : i32
    %add3A_303 = arith.addi %mul3A_2, %add3A_302 : i32
    %dma_start3A_304 = arith.constant 19 : i32
    %dma_start3A_305 = arith.constant 384 : i32
    %dma_start3A_306 = tpu.memref_slice %arg6[%dma_start3A_305] : memref<1024xf32, #tpu.memory_space<vmem>> -> memref<128xf32, #tpu.memory_space<vmem>>
    %dma_start3A_307 = tpu.memref_slice %arg4[%add3A_303] : memref<16384xf32, #tpu.memory_space<hbm>> -> memref<128xf32, #tpu.memory_space<hbm>>
    %dma_start3A_308 = tpu.memref_slice %arg7[%dma_start3A_304] : memref<24x!tpu.dma_semaphore, #tpu.memory_space<semaphore_mem>> -> memref<1x!tpu.dma_semaphore, #tpu.memory_space<semaphore_mem>>
    %dma_start3A_309 = tpu.memref_squeeze %dma_start3A_308 : memref<1x!tpu.dma_semaphore, #tpu.memory_space<semaphore_mem>> -> memref<!tpu.dma_semaphore, #tpu.memory_space<semaphore_mem>>
    %dma_start3A_310 = tpu.memref_slice %arg4[%add3A_303] : memref<16384xf32, #tpu.memory_space<hbm>> -> memref<128xf32, #tpu.memory_space<hbm>>
    %dma_start3A_311 = arith.constant 384 : i32
    %dma_start3A_312 = tpu.memref_slice %arg6[%dma_start3A_311] : memref<1024xf32, #tpu.memory_space<vmem>> -> memref<128xf32, #tpu.memory_space<vmem>>
    tpu.enqueue_dma source(%dma_start3A_312 : memref<128xf32, #tpu.memory_space<vmem>>) target(%dma_start3A_310 : memref<128xf32, #tpu.memory_space<hbm>>) target_semaphore(%dma_start3A_309 : memref<!tpu.dma_semaphore, #tpu.memory_space<semaphore_mem>>)
    %dma_wait3A_313 = arith.constant 12 : i32
    %dma_wait3A_314 = arith.constant 512 : i32
    %dma_wait3A_315 = tpu.memref_slice %arg6[%dma_wait3A_314] : memref<1024xf32, #tpu.memory_space<vmem>> -> memref<128xf32, #tpu.memory_space<vmem>>
    %dma_wait3A_316 = arith.constant 512 : i32
    %dma_wait3A_317 = tpu.memref_slice %arg5[%dma_wait3A_316] : memref<1024xi32, #tpu.memory_space<vmem>> -> memref<128xi32, #tpu.memory_space<vmem>>
    %dma_wait3A_318 = arith.constant 0 : i32
    %dma_wait3A_319 = tpu.memref_slice %arg3[%dma_wait3A_318] : memref<1048576xf32, #tpu.memory_space<hbm>> -> memref<1048576xf32, #tpu.memory_space<hbm>>
    %dma_wait3A_320 = tpu.memref_slice %arg7[%dma_wait3A_313] : memref<24x!tpu.dma_semaphore, #tpu.memory_space<semaphore_mem>> -> memref<1x!tpu.dma_semaphore, #tpu.memory_space<semaphore_mem>>
    %dma_wait3A_321 = tpu.memref_squeeze %dma_wait3A_320 : memref<1x!tpu.dma_semaphore, #tpu.memory_space<semaphore_mem>> -> memref<!tpu.dma_semaphore, #tpu.memory_space<semaphore_mem>>
    tpu.wait_indirect_dma semaphore(%dma_wait3A_321 : memref<!tpu.dma_semaphore, #tpu.memory_space<semaphore_mem>>) src(%dma_wait3A_319 : memref<1048576xf32, #tpu.memory_space<hbm>>) dst(%dma_wait3A_315 : memref<128xf32, #tpu.memory_space<vmem>>)
    %add3A_322 = arith.constant 512 : i32
    %add3A_323 = arith.addi %mul3A_2, %add3A_322 : i32
    %dma_start3A_324 = arith.constant 20 : i32
    %dma_start3A_325 = arith.constant 512 : i32
    %dma_start3A_326 = tpu.memref_slice %arg6[%dma_start3A_325] : memref<1024xf32, #tpu.memory_space<vmem>> -> memref<128xf32, #tpu.memory_space<vmem>>
    %dma_start3A_327 = tpu.memref_slice %arg4[%add3A_323] : memref<16384xf32, #tpu.memory_space<hbm>> -> memref<128xf32, #tpu.memory_space<hbm>>
    %dma_start3A_328 = tpu.memref_slice %arg7[%dma_start3A_324] : memref<24x!tpu.dma_semaphore, #tpu.memory_space<semaphore_mem>> -> memref<1x!tpu.dma_semaphore, #tpu.memory_space<semaphore_mem>>
    %dma_start3A_329 = tpu.memref_squeeze %dma_start3A_328 : memref<1x!tpu.dma_semaphore, #tpu.memory_space<semaphore_mem>> -> memref<!tpu.dma_semaphore, #tpu.memory_space<semaphore_mem>>
    %dma_start3A_330 = tpu.memref_slice %arg4[%add3A_323] : memref<16384xf32, #tpu.memory_space<hbm>> -> memref<128xf32, #tpu.memory_space<hbm>>
    %dma_start3A_331 = arith.constant 512 : i32
    %dma_start3A_332 = tpu.memref_slice %arg6[%dma_start3A_331] : memref<1024xf32, #tpu.memory_space<vmem>> -> memref<128xf32, #tpu.memory_space<vmem>>
    tpu.enqueue_dma source(%dma_start3A_332 : memref<128xf32, #tpu.memory_space<vmem>>) target(%dma_start3A_330 : memref<128xf32, #tpu.memory_space<hbm>>) target_semaphore(%dma_start3A_329 : memref<!tpu.dma_semaphore, #tpu.memory_space<semaphore_mem>>)
    %dma_wait3A_333 = arith.constant 13 : i32
    %dma_wait3A_334 = arith.constant 640 : i32
    %dma_wait3A_335 = tpu.memref_slice %arg6[%dma_wait3A_334] : memref<1024xf32, #tpu.memory_space<vmem>> -> memref<128xf32, #tpu.memory_space<vmem>>
    %dma_wait3A_336 = arith.constant 640 : i32
    %dma_wait3A_337 = tpu.memref_slice %arg5[%dma_wait3A_336] : memref<1024xi32, #tpu.memory_space<vmem>> -> memref<128xi32, #tpu.memory_space<vmem>>
    %dma_wait3A_338 = arith.constant 0 : i32
    %dma_wait3A_339 = tpu.memref_slice %arg3[%dma_wait3A_338] : memref<1048576xf32, #tpu.memory_space<hbm>> -> memref<1048576xf32, #tpu.memory_space<hbm>>
    %dma_wait3A_340 = tpu.memref_slice %arg7[%dma_wait3A_333] : memref<24x!tpu.dma_semaphore, #tpu.memory_space<semaphore_mem>> -> memref<1x!tpu.dma_semaphore, #tpu.memory_space<semaphore_mem>>
    %dma_wait3A_341 = tpu.memref_squeeze %dma_wait3A_340 : memref<1x!tpu.dma_semaphore, #tpu.memory_space<semaphore_mem>> -> memref<!tpu.dma_semaphore, #tpu.memory_space<semaphore_mem>>
    tpu.wait_indirect_dma semaphore(%dma_wait3A_341 : memref<!tpu.dma_semaphore, #tpu.memory_space<semaphore_mem>>) src(%dma_wait3A_339 : memref<1048576xf32, #tpu.memory_space<hbm>>) dst(%dma_wait3A_335 : memref<128xf32, #tpu.memory_space<vmem>>)
    %add3A_342 = arith.constant 640 : i32
    %add3A_343 = arith.addi %mul3A_2, %add3A_342 : i32
    %dma_start3A_344 = arith.constant 21 : i32
    %dma_start3A_345 = arith.constant 640 : i32
    %dma_start3A_346 = tpu.memref_slice %arg6[%dma_start3A_345] : memref<1024xf32, #tpu.memory_space<vmem>> -> memref<128xf32, #tpu.memory_space<vmem>>
    %dma_start3A_347 = tpu.memref_slice %arg4[%add3A_343] : memref<16384xf32, #tpu.memory_space<hbm>> -> memref<128xf32, #tpu.memory_space<hbm>>
    %dma_start3A_348 = tpu.memref_slice %arg7[%dma_start3A_344] : memref<24x!tpu.dma_semaphore, #tpu.memory_space<semaphore_mem>> -> memref<1x!tpu.dma_semaphore, #tpu.memory_space<semaphore_mem>>
    %dma_start3A_349 = tpu.memref_squeeze %dma_start3A_348 : memref<1x!tpu.dma_semaphore, #tpu.memory_space<semaphore_mem>> -> memref<!tpu.dma_semaphore, #tpu.memory_space<semaphore_mem>>
    %dma_start3A_350 = tpu.memref_slice %arg4[%add3A_343] : memref<16384xf32, #tpu.memory_space<hbm>> -> memref<128xf32, #tpu.memory_space<hbm>>
    %dma_start3A_351 = arith.constant 640 : i32
    %dma_start3A_352 = tpu.memref_slice %arg6[%dma_start3A_351] : memref<1024xf32, #tpu.memory_space<vmem>> -> memref<128xf32, #tpu.memory_space<vmem>>
    tpu.enqueue_dma source(%dma_start3A_352 : memref<128xf32, #tpu.memory_space<vmem>>) target(%dma_start3A_350 : memref<128xf32, #tpu.memory_space<hbm>>) target_semaphore(%dma_start3A_349 : memref<!tpu.dma_semaphore, #tpu.memory_space<semaphore_mem>>)
    %dma_wait3A_353 = arith.constant 14 : i32
    %dma_wait3A_354 = arith.constant 768 : i32
    %dma_wait3A_355 = tpu.memref_slice %arg6[%dma_wait3A_354] : memref<1024xf32, #tpu.memory_space<vmem>> -> memref<128xf32, #tpu.memory_space<vmem>>
    %dma_wait3A_356 = arith.constant 768 : i32
    %dma_wait3A_357 = tpu.memref_slice %arg5[%dma_wait3A_356] : memref<1024xi32, #tpu.memory_space<vmem>> -> memref<128xi32, #tpu.memory_space<vmem>>
    %dma_wait3A_358 = arith.constant 0 : i32
    %dma_wait3A_359 = tpu.memref_slice %arg3[%dma_wait3A_358] : memref<1048576xf32, #tpu.memory_space<hbm>> -> memref<1048576xf32, #tpu.memory_space<hbm>>
    %dma_wait3A_360 = tpu.memref_slice %arg7[%dma_wait3A_353] : memref<24x!tpu.dma_semaphore, #tpu.memory_space<semaphore_mem>> -> memref<1x!tpu.dma_semaphore, #tpu.memory_space<semaphore_mem>>
    %dma_wait3A_361 = tpu.memref_squeeze %dma_wait3A_360 : memref<1x!tpu.dma_semaphore, #tpu.memory_space<semaphore_mem>> -> memref<!tpu.dma_semaphore, #tpu.memory_space<semaphore_mem>>
    tpu.wait_indirect_dma semaphore(%dma_wait3A_361 : memref<!tpu.dma_semaphore, #tpu.memory_space<semaphore_mem>>) src(%dma_wait3A_359 : memref<1048576xf32, #tpu.memory_space<hbm>>) dst(%dma_wait3A_355 : memref<128xf32, #tpu.memory_space<vmem>>)
    %add3A_362 = arith.constant 768 : i32
    %add3A_363 = arith.addi %mul3A_2, %add3A_362 : i32
    %dma_start3A_364 = arith.constant 22 : i32
    %dma_start3A_365 = arith.constant 768 : i32
    %dma_start3A_366 = tpu.memref_slice %arg6[%dma_start3A_365] : memref<1024xf32, #tpu.memory_space<vmem>> -> memref<128xf32, #tpu.memory_space<vmem>>
    %dma_start3A_367 = tpu.memref_slice %arg4[%add3A_363] : memref<16384xf32, #tpu.memory_space<hbm>> -> memref<128xf32, #tpu.memory_space<hbm>>
    %dma_start3A_368 = tpu.memref_slice %arg7[%dma_start3A_364] : memref<24x!tpu.dma_semaphore, #tpu.memory_space<semaphore_mem>> -> memref<1x!tpu.dma_semaphore, #tpu.memory_space<semaphore_mem>>
    %dma_start3A_369 = tpu.memref_squeeze %dma_start3A_368 : memref<1x!tpu.dma_semaphore, #tpu.memory_space<semaphore_mem>> -> memref<!tpu.dma_semaphore, #tpu.memory_space<semaphore_mem>>
    %dma_start3A_370 = tpu.memref_slice %arg4[%add3A_363] : memref<16384xf32, #tpu.memory_space<hbm>> -> memref<128xf32, #tpu.memory_space<hbm>>
    %dma_start3A_371 = arith.constant 768 : i32
    %dma_start3A_372 = tpu.memref_slice %arg6[%dma_start3A_371] : memref<1024xf32, #tpu.memory_space<vmem>> -> memref<128xf32, #tpu.memory_space<vmem>>
    tpu.enqueue_dma source(%dma_start3A_372 : memref<128xf32, #tpu.memory_space<vmem>>) target(%dma_start3A_370 : memref<128xf32, #tpu.memory_space<hbm>>) target_semaphore(%dma_start3A_369 : memref<!tpu.dma_semaphore, #tpu.memory_space<semaphore_mem>>)
    %dma_wait3A_373 = arith.constant 15 : i32
    %dma_wait3A_374 = arith.constant 896 : i32
    %dma_wait3A_375 = tpu.memref_slice %arg6[%dma_wait3A_374] : memref<1024xf32, #tpu.memory_space<vmem>> -> memref<128xf32, #tpu.memory_space<vmem>>
    %dma_wait3A_376 = arith.constant 896 : i32
    %dma_wait3A_377 = tpu.memref_slice %arg5[%dma_wait3A_376] : memref<1024xi32, #tpu.memory_space<vmem>> -> memref<128xi32, #tpu.memory_space<vmem>>
    %dma_wait3A_378 = arith.constant 0 : i32
    %dma_wait3A_379 = tpu.memref_slice %arg3[%dma_wait3A_378] : memref<1048576xf32, #tpu.memory_space<hbm>> -> memref<1048576xf32, #tpu.memory_space<hbm>>
    %dma_wait3A_380 = tpu.memref_slice %arg7[%dma_wait3A_373] : memref<24x!tpu.dma_semaphore, #tpu.memory_space<semaphore_mem>> -> memref<1x!tpu.dma_semaphore, #tpu.memory_space<semaphore_mem>>
    %dma_wait3A_381 = tpu.memref_squeeze %dma_wait3A_380 : memref<1x!tpu.dma_semaphore, #tpu.memory_space<semaphore_mem>> -> memref<!tpu.dma_semaphore, #tpu.memory_space<semaphore_mem>>
    tpu.wait_indirect_dma semaphore(%dma_wait3A_381 : memref<!tpu.dma_semaphore, #tpu.memory_space<semaphore_mem>>) src(%dma_wait3A_379 : memref<1048576xf32, #tpu.memory_space<hbm>>) dst(%dma_wait3A_375 : memref<128xf32, #tpu.memory_space<vmem>>)
    %add3A_382 = arith.constant 896 : i32
    %add3A_383 = arith.addi %mul3A_2, %add3A_382 : i32
    %dma_start3A_384 = arith.constant 23 : i32
    %dma_start3A_385 = arith.constant 896 : i32
    %dma_start3A_386 = tpu.memref_slice %arg6[%dma_start3A_385] : memref<1024xf32, #tpu.memory_space<vmem>> -> memref<128xf32, #tpu.memory_space<vmem>>
    %dma_start3A_387 = tpu.memref_slice %arg4[%add3A_383] : memref<16384xf32, #tpu.memory_space<hbm>> -> memref<128xf32, #tpu.memory_space<hbm>>
    %dma_start3A_388 = tpu.memref_slice %arg7[%dma_start3A_384] : memref<24x!tpu.dma_semaphore, #tpu.memory_space<semaphore_mem>> -> memref<1x!tpu.dma_semaphore, #tpu.memory_space<semaphore_mem>>
    %dma_start3A_389 = tpu.memref_squeeze %dma_start3A_388 : memref<1x!tpu.dma_semaphore, #tpu.memory_space<semaphore_mem>> -> memref<!tpu.dma_semaphore, #tpu.memory_space<semaphore_mem>>
    %dma_start3A_390 = tpu.memref_slice %arg4[%add3A_383] : memref<16384xf32, #tpu.memory_space<hbm>> -> memref<128xf32, #tpu.memory_space<hbm>>
    %dma_start3A_391 = arith.constant 896 : i32
    %dma_start3A_392 = tpu.memref_slice %arg6[%dma_start3A_391] : memref<1024xf32, #tpu.memory_space<vmem>> -> memref<128xf32, #tpu.memory_space<vmem>>
    tpu.enqueue_dma source(%dma_start3A_392 : memref<128xf32, #tpu.memory_space<vmem>>) target(%dma_start3A_390 : memref<128xf32, #tpu.memory_space<hbm>>) target_semaphore(%dma_start3A_389 : memref<!tpu.dma_semaphore, #tpu.memory_space<semaphore_mem>>)
    %dma_wait3A_393 = arith.constant 16 : i32
    %dma_wait3A_394 = arith.constant 0 : i32
    %dma_wait3A_395 = tpu.memref_slice %arg6[%dma_wait3A_394] : memref<1024xf32, #tpu.memory_space<vmem>> -> memref<128xf32, #tpu.memory_space<vmem>>
    %dma_wait3A_396 = tpu.memref_slice %arg4[%add3A_243] : memref<16384xf32, #tpu.memory_space<hbm>> -> memref<128xf32, #tpu.memory_space<hbm>>
    %dma_wait3A_397 = tpu.memref_slice %arg7[%dma_wait3A_393] : memref<24x!tpu.dma_semaphore, #tpu.memory_space<semaphore_mem>> -> memref<1x!tpu.dma_semaphore, #tpu.memory_space<semaphore_mem>>
    %dma_wait3A_398 = tpu.memref_squeeze %dma_wait3A_397 : memref<1x!tpu.dma_semaphore, #tpu.memory_space<semaphore_mem>> -> memref<!tpu.dma_semaphore, #tpu.memory_space<semaphore_mem>>
    %dma_wait3A_399 = tpu.memref_slice %arg4[%add3A_243] : memref<16384xf32, #tpu.memory_space<hbm>> -> memref<128xf32, #tpu.memory_space<hbm>>
    %dma_wait3A_400 = arith.constant 0 : i32
    %dma_wait3A_401 = tpu.memref_slice %arg6[%dma_wait3A_400] : memref<1024xf32, #tpu.memory_space<vmem>> -> memref<128xf32, #tpu.memory_space<vmem>>
    tpu.wait_dma2 semaphore(%dma_wait3A_398 : memref<!tpu.dma_semaphore, #tpu.memory_space<semaphore_mem>>) src(%dma_wait3A_401 : memref<128xf32, #tpu.memory_space<vmem>>) dst(%dma_wait3A_399 : memref<128xf32, #tpu.memory_space<hbm>>)
    %dma_wait3A_402 = arith.constant 17 : i32
    %dma_wait3A_403 = arith.constant 128 : i32
    %dma_wait3A_404 = tpu.memref_slice %arg6[%dma_wait3A_403] : memref<1024xf32, #tpu.memory_space<vmem>> -> memref<128xf32, #tpu.memory_space<vmem>>
    %dma_wait3A_405 = tpu.memref_slice %arg4[%add3A_263] : memref<16384xf32, #tpu.memory_space<hbm>> -> memref<128xf32, #tpu.memory_space<hbm>>
    %dma_wait3A_406 = tpu.memref_slice %arg7[%dma_wait3A_402] : memref<24x!tpu.dma_semaphore, #tpu.memory_space<semaphore_mem>> -> memref<1x!tpu.dma_semaphore, #tpu.memory_space<semaphore_mem>>
    %dma_wait3A_407 = tpu.memref_squeeze %dma_wait3A_406 : memref<1x!tpu.dma_semaphore, #tpu.memory_space<semaphore_mem>> -> memref<!tpu.dma_semaphore, #tpu.memory_space<semaphore_mem>>
    %dma_wait3A_408 = tpu.memref_slice %arg4[%add3A_263] : memref<16384xf32, #tpu.memory_space<hbm>> -> memref<128xf32, #tpu.memory_space<hbm>>
    %dma_wait3A_409 = arith.constant 128 : i32
    %dma_wait3A_410 = tpu.memref_slice %arg6[%dma_wait3A_409] : memref<1024xf32, #tpu.memory_space<vmem>> -> memref<128xf32, #tpu.memory_space<vmem>>
    tpu.wait_dma2 semaphore(%dma_wait3A_407 : memref<!tpu.dma_semaphore, #tpu.memory_space<semaphore_mem>>) src(%dma_wait3A_410 : memref<128xf32, #tpu.memory_space<vmem>>) dst(%dma_wait3A_408 : memref<128xf32, #tpu.memory_space<hbm>>)
    %dma_wait3A_411 = arith.constant 18 : i32
    %dma_wait3A_412 = arith.constant 256 : i32
    %dma_wait3A_413 = tpu.memref_slice %arg6[%dma_wait3A_412] : memref<1024xf32, #tpu.memory_space<vmem>> -> memref<128xf32, #tpu.memory_space<vmem>>
    %dma_wait3A_414 = tpu.memref_slice %arg4[%add3A_283] : memref<16384xf32, #tpu.memory_space<hbm>> -> memref<128xf32, #tpu.memory_space<hbm>>
    %dma_wait3A_415 = tpu.memref_slice %arg7[%dma_wait3A_411] : memref<24x!tpu.dma_semaphore, #tpu.memory_space<semaphore_mem>> -> memref<1x!tpu.dma_semaphore, #tpu.memory_space<semaphore_mem>>
    %dma_wait3A_416 = tpu.memref_squeeze %dma_wait3A_415 : memref<1x!tpu.dma_semaphore, #tpu.memory_space<semaphore_mem>> -> memref<!tpu.dma_semaphore, #tpu.memory_space<semaphore_mem>>
    %dma_wait3A_417 = tpu.memref_slice %arg4[%add3A_283] : memref<16384xf32, #tpu.memory_space<hbm>> -> memref<128xf32, #tpu.memory_space<hbm>>
    %dma_wait3A_418 = arith.constant 256 : i32
    %dma_wait3A_419 = tpu.memref_slice %arg6[%dma_wait3A_418] : memref<1024xf32, #tpu.memory_space<vmem>> -> memref<128xf32, #tpu.memory_space<vmem>>
    tpu.wait_dma2 semaphore(%dma_wait3A_416 : memref<!tpu.dma_semaphore, #tpu.memory_space<semaphore_mem>>) src(%dma_wait3A_419 : memref<128xf32, #tpu.memory_space<vmem>>) dst(%dma_wait3A_417 : memref<128xf32, #tpu.memory_space<hbm>>)
    %dma_wait3A_420 = arith.constant 19 : i32
    %dma_wait3A_421 = arith.constant 384 : i32
    %dma_wait3A_422 = tpu.memref_slice %arg6[%dma_wait3A_421] : memref<1024xf32, #tpu.memory_space<vmem>> -> memref<128xf32, #tpu.memory_space<vmem>>
    %dma_wait3A_423 = tpu.memref_slice %arg4[%add3A_303] : memref<16384xf32, #tpu.memory_space<hbm>> -> memref<128xf32, #tpu.memory_space<hbm>>
    %dma_wait3A_424 = tpu.memref_slice %arg7[%dma_wait3A_420] : memref<24x!tpu.dma_semaphore, #tpu.memory_space<semaphore_mem>> -> memref<1x!tpu.dma_semaphore, #tpu.memory_space<semaphore_mem>>
    %dma_wait3A_425 = tpu.memref_squeeze %dma_wait3A_424 : memref<1x!tpu.dma_semaphore, #tpu.memory_space<semaphore_mem>> -> memref<!tpu.dma_semaphore, #tpu.memory_space<semaphore_mem>>
    %dma_wait3A_426 = tpu.memref_slice %arg4[%add3A_303] : memref<16384xf32, #tpu.memory_space<hbm>> -> memref<128xf32, #tpu.memory_space<hbm>>
    %dma_wait3A_427 = arith.constant 384 : i32
    %dma_wait3A_428 = tpu.memref_slice %arg6[%dma_wait3A_427] : memref<1024xf32, #tpu.memory_space<vmem>> -> memref<128xf32, #tpu.memory_space<vmem>>
    tpu.wait_dma2 semaphore(%dma_wait3A_425 : memref<!tpu.dma_semaphore, #tpu.memory_space<semaphore_mem>>) src(%dma_wait3A_428 : memref<128xf32, #tpu.memory_space<vmem>>) dst(%dma_wait3A_426 : memref<128xf32, #tpu.memory_space<hbm>>)
    %dma_wait3A_429 = arith.constant 20 : i32
    %dma_wait3A_430 = arith.constant 512 : i32
    %dma_wait3A_431 = tpu.memref_slice %arg6[%dma_wait3A_430] : memref<1024xf32, #tpu.memory_space<vmem>> -> memref<128xf32, #tpu.memory_space<vmem>>
    %dma_wait3A_432 = tpu.memref_slice %arg4[%add3A_323] : memref<16384xf32, #tpu.memory_space<hbm>> -> memref<128xf32, #tpu.memory_space<hbm>>
    %dma_wait3A_433 = tpu.memref_slice %arg7[%dma_wait3A_429] : memref<24x!tpu.dma_semaphore, #tpu.memory_space<semaphore_mem>> -> memref<1x!tpu.dma_semaphore, #tpu.memory_space<semaphore_mem>>
    %dma_wait3A_434 = tpu.memref_squeeze %dma_wait3A_433 : memref<1x!tpu.dma_semaphore, #tpu.memory_space<semaphore_mem>> -> memref<!tpu.dma_semaphore, #tpu.memory_space<semaphore_mem>>
    %dma_wait3A_435 = tpu.memref_slice %arg4[%add3A_323] : memref<16384xf32, #tpu.memory_space<hbm>> -> memref<128xf32, #tpu.memory_space<hbm>>
    %dma_wait3A_436 = arith.constant 512 : i32
    %dma_wait3A_437 = tpu.memref_slice %arg6[%dma_wait3A_436] : memref<1024xf32, #tpu.memory_space<vmem>> -> memref<128xf32, #tpu.memory_space<vmem>>
    tpu.wait_dma2 semaphore(%dma_wait3A_434 : memref<!tpu.dma_semaphore, #tpu.memory_space<semaphore_mem>>) src(%dma_wait3A_437 : memref<128xf32, #tpu.memory_space<vmem>>) dst(%dma_wait3A_435 : memref<128xf32, #tpu.memory_space<hbm>>)
    %dma_wait3A_438 = arith.constant 21 : i32
    %dma_wait3A_439 = arith.constant 640 : i32
    %dma_wait3A_440 = tpu.memref_slice %arg6[%dma_wait3A_439] : memref<1024xf32, #tpu.memory_space<vmem>> -> memref<128xf32, #tpu.memory_space<vmem>>
    %dma_wait3A_441 = tpu.memref_slice %arg4[%add3A_343] : memref<16384xf32, #tpu.memory_space<hbm>> -> memref<128xf32, #tpu.memory_space<hbm>>
    %dma_wait3A_442 = tpu.memref_slice %arg7[%dma_wait3A_438] : memref<24x!tpu.dma_semaphore, #tpu.memory_space<semaphore_mem>> -> memref<1x!tpu.dma_semaphore, #tpu.memory_space<semaphore_mem>>
    %dma_wait3A_443 = tpu.memref_squeeze %dma_wait3A_442 : memref<1x!tpu.dma_semaphore, #tpu.memory_space<semaphore_mem>> -> memref<!tpu.dma_semaphore, #tpu.memory_space<semaphore_mem>>
    %dma_wait3A_444 = tpu.memref_slice %arg4[%add3A_343] : memref<16384xf32, #tpu.memory_space<hbm>> -> memref<128xf32, #tpu.memory_space<hbm>>
    %dma_wait3A_445 = arith.constant 640 : i32
    %dma_wait3A_446 = tpu.memref_slice %arg6[%dma_wait3A_445] : memref<1024xf32, #tpu.memory_space<vmem>> -> memref<128xf32, #tpu.memory_space<vmem>>
    tpu.wait_dma2 semaphore(%dma_wait3A_443 : memref<!tpu.dma_semaphore, #tpu.memory_space<semaphore_mem>>) src(%dma_wait3A_446 : memref<128xf32, #tpu.memory_space<vmem>>) dst(%dma_wait3A_444 : memref<128xf32, #tpu.memory_space<hbm>>)
    %dma_wait3A_447 = arith.constant 22 : i32
    %dma_wait3A_448 = arith.constant 768 : i32
    %dma_wait3A_449 = tpu.memref_slice %arg6[%dma_wait3A_448] : memref<1024xf32, #tpu.memory_space<vmem>> -> memref<128xf32, #tpu.memory_space<vmem>>
    %dma_wait3A_450 = tpu.memref_slice %arg4[%add3A_363] : memref<16384xf32, #tpu.memory_space<hbm>> -> memref<128xf32, #tpu.memory_space<hbm>>
    %dma_wait3A_451 = tpu.memref_slice %arg7[%dma_wait3A_447] : memref<24x!tpu.dma_semaphore, #tpu.memory_space<semaphore_mem>> -> memref<1x!tpu.dma_semaphore, #tpu.memory_space<semaphore_mem>>
    %dma_wait3A_452 = tpu.memref_squeeze %dma_wait3A_451 : memref<1x!tpu.dma_semaphore, #tpu.memory_space<semaphore_mem>> -> memref<!tpu.dma_semaphore, #tpu.memory_space<semaphore_mem>>
    %dma_wait3A_453 = tpu.memref_slice %arg4[%add3A_363] : memref<16384xf32, #tpu.memory_space<hbm>> -> memref<128xf32, #tpu.memory_space<hbm>>
    %dma_wait3A_454 = arith.constant 768 : i32
    %dma_wait3A_455 = tpu.memref_slice %arg6[%dma_wait3A_454] : memref<1024xf32, #tpu.memory_space<vmem>> -> memref<128xf32, #tpu.memory_space<vmem>>
    tpu.wait_dma2 semaphore(%dma_wait3A_452 : memref<!tpu.dma_semaphore, #tpu.memory_space<semaphore_mem>>) src(%dma_wait3A_455 : memref<128xf32, #tpu.memory_space<vmem>>) dst(%dma_wait3A_453 : memref<128xf32, #tpu.memory_space<hbm>>)
    %dma_wait3A_456 = arith.constant 23 : i32
    %dma_wait3A_457 = arith.constant 896 : i32
    %dma_wait3A_458 = tpu.memref_slice %arg6[%dma_wait3A_457] : memref<1024xf32, #tpu.memory_space<vmem>> -> memref<128xf32, #tpu.memory_space<vmem>>
    %dma_wait3A_459 = tpu.memref_slice %arg4[%add3A_383] : memref<16384xf32, #tpu.memory_space<hbm>> -> memref<128xf32, #tpu.memory_space<hbm>>
    %dma_wait3A_460 = tpu.memref_slice %arg7[%dma_wait3A_456] : memref<24x!tpu.dma_semaphore, #tpu.memory_space<semaphore_mem>> -> memref<1x!tpu.dma_semaphore, #tpu.memory_space<semaphore_mem>>
    %dma_wait3A_461 = tpu.memref_squeeze %dma_wait3A_460 : memref<1x!tpu.dma_semaphore, #tpu.memory_space<semaphore_mem>> -> memref<!tpu.dma_semaphore, #tpu.memory_space<semaphore_mem>>
    %dma_wait3A_462 = tpu.memref_slice %arg4[%add3A_383] : memref<16384xf32, #tpu.memory_space<hbm>> -> memref<128xf32, #tpu.memory_space<hbm>>
    %dma_wait3A_463 = arith.constant 896 : i32
    %dma_wait3A_464 = tpu.memref_slice %arg6[%dma_wait3A_463] : memref<1024xf32, #tpu.memory_space<vmem>> -> memref<128xf32, #tpu.memory_space<vmem>>
    tpu.wait_dma2 semaphore(%dma_wait3A_461 : memref<!tpu.dma_semaphore, #tpu.memory_space<semaphore_mem>>) src(%dma_wait3A_464 : memref<128xf32, #tpu.memory_space<vmem>>) dst(%dma_wait3A_462 : memref<128xf32, #tpu.memory_space<hbm>>)
    return
  }
}

module attributes {stable_mosaic.version = 14 : i64} {
  func.func @_index_body(%arg0: i32, %arg1: memref<20x16384xf32, #tpu.memory_space<vmem>>, %arg2: memref<16384xi32, #tpu.memory_space<vmem>>) attributes {dimension_semantics = [#tpu.dimension_semantics<arbitrary>], iteration_bounds = array<i64: 1>, scalar_prefetch = 0 : i64, scratch_operands = 0 : i64, tpu.core_type = #tpu.core_type<tc>, window_params = [{transform_indices = @transform_0, window_bounds = array<i64: 20, 16384>}, {transform_indices = @transform_1, window_bounds = array<i64: 16384>}]} {
    %get3A = arith.constant 0 : index
    %get3A_0 = arith.constant 0 : index
    %get3A_1 = vector.load %arg1[%get3A, %get3A_0] : memref<20x16384xf32, #tpu.memory_space<vmem>>, vector<20x16384xf32>
    %iota3A = tpu.iota {dimensions = array<i32: 0>} : vector<20x1xi32>
    %sub3A = arith.constant 19 : i32
    %sub3A_2 = vector.broadcast %sub3A : i32 to vector<20x1xi32>
    %sub3A_3 = arith.subi %sub3A_2, %iota3A : vector<20x1xi32>
    %shift_left3A = arith.constant 1 : i32
    %shift_left3A_4 = vector.broadcast %shift_left3A : i32 to vector<20x1xi32>
    %shift_left3A_5 = arith.shli %shift_left3A_4, %sub3A_3 : vector<20x1xi32>
    %convert_element_type3A = arith.sitofp %shift_left3A_5 : vector<20x1xi32> to vector<20x1xf32>
    %mul3A = vector.broadcast %convert_element_type3A : vector<20x1xf32> to vector<20x16384xf32>
    %mul3A_6 = arith.mulf %get3A_1, %mul3A : vector<20x16384xf32>
    %reduce_sum3A = arith.constant dense<0.000000e+00> : vector<16384xf32>
    %reduce_sum3A_7 = vector.multi_reduction <add>, %mul3A_6, %reduce_sum3A [0] : vector<20x16384xf32> to vector<16384xf32>
    %add3A = arith.constant 0x497FFFF0 : f32
    %add3A_8 = vector.broadcast %add3A : f32 to vector<16384xf32>
    %add3A_9 = arith.addf %reduce_sum3A_7, %add3A_8 : vector<16384xf32>
    %mul3A_10 = arith.constant 5.000000e-01 : f32
    %mul3A_11 = vector.broadcast %mul3A_10 : f32 to vector<16384xf32>
    %mul3A_12 = arith.mulf %add3A_9, %mul3A_11 : vector<16384xf32>
    %convert_element_type3A_13 = arith.fptosi %mul3A_12 : vector<16384xf32> to vector<16384xi32>
    %swap3A = arith.constant 0 : index
    %swap3A_14 = vector.load %arg2[%swap3A] : memref<16384xi32, #tpu.memory_space<vmem>>, vector<16384xi32>
    tpu.vector_store %arg2[%swap3A], %convert_element_type3A_13 {strides = array<i32>} : memref<16384xi32, #tpu.memory_space<vmem>>, vector<16384xi32>,
    return
  }
  func.func @transform_0(%arg0: i32) -> (i32, i32) {
    %c0_i32 = arith.constant 0 : i32
    %c0_i32_0 = arith.constant 0 : i32
    return %c0_i32, %arg0 : i32, i32
  }
  func.func @transform_1(%arg0: i32) -> i32 {
    %c0_i32 = arith.constant 0 : i32
    return %arg0 : i32
  }
}

</mosaic_0001>

<sc_bundles>
// kernel: kernel.4.cloned.1.call-start
scs
__scs_entry_jumppad:
0x0: {  	(pc) =	sbr.rel $0x88, $3  }
0x1: {  	(tag) =	ssettag $0x0;
	lr =	simm.s32 $0x1  }
0x2: {  	[smem:$0x3F9F] =	sst lr;
	_ =	strace $0xD0000000  }
0x3: {  	_ = 	snop  }
0x4: {  	_ = 	snop  }
0x5: {  	_ = 	snop  }
0x6: {  	_ = 	snop  }
0x7: {  	_ = 	snop  }
__scs_overlays_trampoline_lowered:
0x8: {  	[smem:$0x3FAE] =	sst s0  }
0x9: {  	[smem:$0x3FAF] =	sst s1  }
0xa: {  	[smem:$0x3FB0] =	sst s2  }
0xb: {  	[smem:$0x3FB1] =	sst s3  }
0xc: {  	[smem:$0x3FB2] =	sst s4  }
0xd: {  	[smem:$0x3FB3] =	sst s5  }
0xe: {  	[smem:$0x3FB4] =	sst s6  }
0xf: {  	[smem:$0x3FB5] =	sst s7  }
0x10: {  	[smem:$0x3FB6] =	sst s8  }
0x11: {  	[smem:$0x3FB7] =	sst s9;
	s0 =	simm.s32 @!p0 $0x0  }
0x12: {  	s1 =	sld [smem:$0x3F9D];
	s0 =	simm.s32 @p0 $0x1  }
0x13: {  	[smem:$0x3FB8] =	sst s0;
	s0 =	simm.s32 @!p1 $0x0  }
0x14: {  	s2 =	sld [smem:$0x3F9C];
	s0 =	simm.s32 @p1 $0x1  }
0x15: {  	[smem:$0x3FB9] =	sst s0;
	s0 =	simm.s32 @!p2 $0x0  }
0x16: {  	s3 =	sld [smem:$0x3FDB];
	s0 =	simm.s32 @p2 $0x1  }
0x17: {  	s4 =	simm.s32 $0x1BF5;
	[smem:$0x3FBB] =	sst s0  }
0x18: {  	s0 =	sld [smem:$0x3F9E];
	_ =	swait.ge [sflag:s4], $0x0  }
0x19: {  	s7 =	sld [smem:$0x3F9F]  }
0x1a: {  	s8 =	sadd.s32 $0xFFFFE003, lr  }
0x1b: {  	s9 =	sadd.s32 $0xFFFFFEF7, lr;
	s5 =	simm.s32 $0xFFFFFFFF;
	p2 =	slt.u32 s8, $0xFFFFF086  }
0x1c: {  	p1 =	slt.u32 s9, $0xF7A;
	s5 =	simm.s32 @!p2 $0x0  }
0x1d: {  	s5 =	simm.s32 @p1 $0x1;
	p0 =	seq.s32 s7, s2  }
0x1e: {  	s7 =	smul.u32 @!p0 $0xF7A, s2;
	p2 =	seq.s32 @!p0 s5, $0x0  }
0x1f: {  	s9 =	smul.u32 $0xF7A, s1;
	s8 =	simm.s32 @!p0 $0x1BF5;
	p2 =	por !p2, p0  }
0x20: {  	[sflag:s8] =	ssyncset.s32 @!p0 $0xFFFFF086;
	s6 =	sadd.s32 @!p0 s3, s7;
	s7 =	simm.s32 @!p0 $0x108  }
0x21: {  	s3 =	sadd.s32 s3, s9;
	s6 =	sadd.s32 @!p0 $0x88, s6;
	s7 =	simm.s32 @p2 $0x1082  }
0x22: {  	[simem:s7], [sflag:s8] =	dma.local @!p0 [hbm:s6], $0xF7A  }
0x23: {  	s9 =	sor.u32 $0xD0000000, s2;
	s6 =	simm.s32 $0x108;
	_ =	swait.ge @!p0 [sflag:s8], $0x0  }
0x24: {  	s3 =	sadd.s32 $0x88, s3;
	s6 =	simm.s32 @!p1 $0x1082;
	[sflag:s4] =	ssyncset.s32 $0xFFFFF086  }
0x25: {  	[simem:s6], [sflag:s4] =	dma.local [hbm:s3], $0xF7A  }
0x26: {  	[smem:$0x3F9F] =	sst s1;
	(tag) =	ssettag s2;
	_ =	strace s9  }
0x27: {  	s1 =	sld [smem:$0x3FAF]  }
0x28: {  	s2 =	sld [smem:$0x3FB0]  }
0x29: {  	s4 =	sld [smem:$0x3FB2]  }
0x2a: {  	p0 =	seq.s32 s5, $0x0;
	s5 =	sld [smem:$0x3FB3]  }
0x2b: {  	s6 =	sld [smem:$0x3FB4]  }
0x2c: {  	s7 =	sld [smem:$0x3FB5]  }
0x2d: {  	s3 =	simm.s32 $0x108;
	s8 =	sld [smem:$0x3FB6]  }
0x2e: {  	s3 =	simm.s32 @!p0 $0x1082;
	s9 =	sld [smem:$0x3FB7]  }
0x2f: {  	lr =	sadd.s32 s0, s3;
	s0 =	sld [smem:$0x3FAE]  }
0x30: {  	s3 =	sld [smem:$0x3FB1]  }
0x31: {  	[smem:$0x3FBA] =	sst s10  }
0x32: {  	s10 =	sld [smem:$0x3FB8];
	_ =	sdelay $0x3  }
0x33: {  	p0 =	seq.s32 s10, $0x1;
	s10 =	sld [smem:$0x3FBA];
	_ =	sdelay $0x3  }
0x34: {  	[smem:$0x3FBA] =	sst s10  }
0x35: {  	s10 =	sld [smem:$0x3FB9];
	_ =	sdelay $0x3  }
0x36: {  	p1 =	seq.s32 s10, $0x1;
	s10 =	sld [smem:$0x3FBA];
	_ =	sdelay $0x3  }
0x37: {  	[smem:$0x3FBA] =	sst s10  }
0x38: {  	s10 =	sld [smem:$0x3FBB]  }
0x39: {  	_ = 	snop;
	(pc) =	sbr.ind lr, $3  }
0x3a: {  	_ = 	snop  }
0x3b: {  	_ = 	snop  }
0x3c: {  	p2 =	seq.s32 s10, $0x1;
	s10 =	sld [smem:$0x3FBA]  }
0x3d: {  	_ =	shalt  }
0x3e: {  	_ =	shalt  }
0x3f: {  	_ =	shalt  }
0x40: {  	_ =	shalt  }
0x41: {  	_ =	shalt  }
0x42: {  	_ =	shalt  }
0x43: {  	_ =	shalt  }
0x44: {  	_ =	shalt  }
0x45: {  	_ =	shalt  }
0x46: {  	_ =	shalt  }
0x47: {  	_ =	shalt  }
0x48: {  	_ =	shalt  }
0x49: {  	_ =	shalt  }
0x4a: {  	_ =	shalt  }
0x4b: {  	_ =	shalt  }
0x4c: {  	_ =	shalt  }
0x4d: {  	_ =	shalt  }
0x4e: {  	_ =	shalt  }
0x4f: {  	_ =	shalt  }
0x50: {  	_ =	shalt  }
0x51: {  	_ =	shalt  }
0x52: {  	_ =	shalt  }
0x53: {  	_ =	shalt  }
0x54: {  	_ =	shalt  }
0x55: {  	_ =	shalt  }
0x56: {  	_ =	shalt  }
0x57: {  	_ =	shalt  }
0x58: {  	_ =	shalt  }
0x59: {  	_ =	shalt  }
0x5a: {  	_ =	shalt  }
0x5b: {  	_ =	shalt  }
0x5c: {  	_ =	shalt  }
0x5d: {  	_ =	shalt  }
0x5e: {  	_ =	shalt  }
0x5f: {  	_ =	shalt  }
0x60: {  	_ =	shalt  }
0x61: {  	_ =	shalt  }
0x62: {  	_ =	shalt  }
0x63: {  	_ =	shalt  }
0x64: {  	_ =	shalt  }
0x65: {  	_ =	shalt  }
0x66: {  	_ =	shalt  }
0x67: {  	_ =	shalt  }
0x68: {  	_ =	shalt  }
0x69: {  	_ =	shalt  }
0x6a: {  	_ =	shalt  }
0x6b: {  	_ =	shalt  }
0x6c: {  	_ =	shalt  }
0x6d: {  	_ =	shalt  }
0x6e: {  	_ =	shalt  }
0x6f: {  	_ =	shalt  }
0x70: {  	_ =	shalt  }
0x71: {  	_ =	shalt  }
0x72: {  	_ =	shalt  }
0x73: {  	_ =	shalt  }
0x74: {  	_ =	shalt  }
0x75: {  	_ =	shalt  }
0x76: {  	_ =	shalt  }
0x77: {  	_ =	shalt  }
0x78: {  	_ =	shalt  }
0x79: {  	_ =	shalt  }
0x7a: {  	_ =	shalt  }
0x7b: {  	_ =	shalt  }
0x7c: {  	_ =	shalt  }
0x7d: {  	_ =	shalt  }
0x7e: {  	_ =	shalt  }
0x7f: {  	_ =	shalt  }
0x80: {  	_ =	shalt  }
0x81: {  	_ =	shalt  }
0x82: {  	_ =	shalt  }
0x83: {  	_ =	shalt  }
0x84: {  	_ =	shalt  }
0x85: {  	_ =	shalt  }
0x86: {  	_ =	shalt  }
0x87: {  	_ =	shalt  }
.Lfunc_end0:
.L_simem_size_0:
called_computation_lowered:
.L_overlay_start_0:
0x88: {  	s0 =	sld [smem:$0x3FD9]  }
0x89: {  	s1 =	sld [smem:$0x3FFE];
	_ =	sdelay $0x3  }
0x8a: {  	s0 =	sadd.s32 s1, s0  }
0x8b: {  	[smem:$0x3FC6] =	sst s0  }
0x8c: {  	_ = 	snop  }
0x8d: {  	s0 =	sld [smem:$0x3FC8]  }
0x8e: {  	s16 =	sld [smem:$0x3FD0];
	(tm) =	ssettm $0x1  }
0x8f: {  	s2 =	sld [smem:$0x3FFB];
	_ =	sdelay $0x3  }
0x90: {  	_ =	strace s2  }
0x91: {  	s2 =	sld [smem:$0x3FFC];
	_ =	sdelay $0x3  }
0x92: {  	_ =	strace s2  }
0x93: {  	s2 =	sld [smem:$0x3FFD];
	_ =	sdelay $0x3  }
0x94: {  	_ =	strace s2  }
0x95: {  	_ =	strace $0x8FFFFFFF  }
0x96: {  	s17 =	sld [smem:$0x3FDB];
	_ =	sdelay $0x1  }
0x97: {  	s3 =	simm.s32 $_scs_section_size  }
0x98: {  	s4 =	simm.s32 $_size__tile_overlayer_lowered;
	s5 =	simm.s32 $_tile_overlayer_lowered  }
0x99: {  	s20 =	simm.s32 $0x1BFF;
	s19 =	sshll.u32 s5, $0x1;
	s2 =	sadd.s32 s3, s17  }
0x9a: {  	s6 =	simm.s32 $0x0;
	s18 =	sshll.u32 s4, $0x1;
	s4 =	sadd.s32 s19, s2  }
0x9b: {  	[timem:s6], [sflag:s20] =	dma.local [hbm:s4], s18  }
0x9c: {  	_ =	swait.ge [sflag:s20], s18  }
0x9d: {  	s3 =	ssub.s32 $0x0, s18;
	[sflag:s20] =	ssyncset.done $0x0  }
0x9e: {  	[sflag:s20] =	ssyncadd.s32 s3;
	_ =	sdelay $0x1  }
0x9f: {  	s21 =	simm.s32 $0x1B8B  }
0xa0: {  	_ =	swait.ge [sflag:s21], $0x1  }
0xa1: {  	[sflag:s21] =	ssyncset.done $0x0  }
0xa2: {  	s23 =	simm.s32 $0x1B8E;
	s22 =	sld [smem:$0x3FFE];
	[sflag:s21] =	ssyncadd.s32 $0xFFFFFFFF  }
0xa3: {  	s24 =	simm.s32 $execute0_lowered;
	[smem:$0x3FD2] =	sst s23  }
0xa4: {  	s4 =	sshll.u32 s24, $0x1;
	_ =	strace $0x80000046;
	[dreg:$0x1] =	wrdreg $0xFFFFFFFF  }
0xa5: {  	s25 =	simm.s32 $_size_execute0_lowered;
	s2 =	sadd.s32 s2, s4;
	[dreg:$0x0] =	wrdreg $0x0  }
0xa6: {  	s4 =	sshll.u32 s25, $0x1;
	[dreg:$0x2] =	wrdreg s2  }
0xa7: {  	[dreg:$0x3] =	wrdreg s4  }
0xa8: {  	[dreg:$0x4] =	wrdreg $0xC0  }
0xa9: {  	_ =	task [dreg:s6], $0x5FFFF  }
0xaa: {  	[dreg:$0x1] =	wrdreg $0xFFFFFFFF  }
0xab: {  	[dreg:$0x0] =	wrdreg $0x60  }
0xac: {  	[dreg:$0x2] =	wrdreg s22  }
0xad: {  	[dreg:$0x3] =	wrdreg s0  }
0xae: {  	[dreg:$0x4] =	wrdreg s16  }
0xaf: {  	[dreg:$0x5] =	wrdreg $0x9  }
0xb0: {  	_ =	task.clear_ibuf [dreg:s6], $0x6FFFF;
	_ =	strace $0x90000046  }
0xb1: {  	s26 =	simm.s32 $0x9;
	_ =	strace $0x80000048  }
0xb2: {  	_ =	swait.ge [sflag:s26], $0x1  }
0xb3: {  	[sflag:s26] =	ssyncadd.s32 $0xFFFFFFFF  }
0xb4: {  	_ =	strace $0x90000048  }
0xb5: {  	_ =	sfence  }
0xb6: {  	s28 =	sld [smem:$0x0];
	_ =	sdelay $0x1  }
0xb7: {  	s29 =	srdreg.scid  }
0xb8: {  	s30 =	sshll.u32 s29, $0xD;
	s31 =	sshrl.u32 s29, $0x2  }
0xb9: {  	s1 =	sand.u32 $0x1, s29;
	s2 =	sand.u32 $0x4000, s30;
	s0 =	sadd.s32 s31, s28  }
0xba: {  	s1 =	sor.u32 s2, s1;
	s0 =	sshll.u32 s0, $0x11  }
0xbb: {  	s0 =	sor.u32 s0, s1  }
0xbc: {  	s0 =	sadd.s32 $0x8F2B, s0  }
0xbd: {  	[sflag:s0] =	ssyncadd.remote.s32 $0x1  }
0xbe: {  	_ =	sfence.sel $0xFFFF  }
0xbf: {  	[dreg:$0x0] =	wrdreg $0xFFFFFFFF;
	(pc) =	sbr.abs _section_cstart, $3  }
0xc0: {  	[dreg:$0x1] =	wrdreg $0xFFFFFFFF  }
0xc1: {  	_ =	task.clear_ibuf [dreg:s6], $0x2FFFF;
	_ =	strace $0x9FFFFFFF  }
0xc2: {  	(tm) =	ssettm $0x7FFFFFFF  }
0xc3: {  	_ =	shalt  }
tec
execute0_lowered:
.L_overlay_start_1:
0x0: {  	(tag) =	ssettag $0x1  }
0x1: {  	s4 =	rddreg [dreg:$0x0]  }
0x2: {  	s10 =	rddreg [dreg:$0x1]  }
0x3: {  	s2 =	rddreg [dreg:$0x2]  }
0x4: {  	s0 =	rddreg [dreg:$0x3];
	s3 =	simm.s32 $0x0;
	s1 =	stileid.u32  }
0x5: {  	[smem:$0x7FF] =	sst s3;
	s14 =	sadd.s32 $0x800, s4;
	s12 =	sshll.u32 s1, $0x7  }
0x6: {  	_ =	strace $0x80000047;
	s4 =	sadd.s32 s14, s12;
	s11 =	sor.u32 $0x10, s12  }
0x7: {  	[tilespmem:s3], [sflag:$0x1] =	stream.linear.gather [hbm4b:s4+s3], $0x80, $0x38;
	[tilespmem:$0x800] =	vst v63  }
0x8: {  	s13 =	simm.s32 $0x80;
	s9 =	sor.u32 $0x20, s12;
	s23 =	sadd.s32 s14, s11  }
0x9: {  	[tilespmem:s13], [sflag:$0x2] =	stream.linear.gather [hbm4b:s23+s3], $0x80, $0x38;
	[tilespmem:$0x800] =	vst v63  }
0xa: {  	s15 =	simm.s32 $0x100;
	s8 =	sor.u32 $0x30, s12;
	s24 =	sadd.s32 s14, s9  }
0xb: {  	[tilespmem:s15], [sflag:$0x3] =	stream.linear.gather [hbm4b:s24+s3], $0x80, $0x38;
	[tilespmem:$0x800] =	vst v63  }
0xc: {  	s16 =	simm.s32 $0x180;
	s7 =	sor.u32 $0x40, s12;
	s25 =	sadd.s32 s14, s8  }
0xd: {  	[tilespmem:s16], [sflag:$0x4] =	stream.linear.gather [hbm4b:s25+s3], $0x80, $0x38;
	[tilespmem:$0x800] =	vst v63  }
0xe: {  	s17 =	simm.s32 $0x200;
	s6 =	sor.u32 $0x50, s12;
	s26 =	sadd.s32 s14, s7  }
0xf: {  	[tilespmem:s17], [sflag:$0x5] =	stream.linear.gather [hbm4b:s26+s3], $0x80, $0x38;
	[tilespmem:$0x800] =	vst v63  }
0x10: {  	s18 =	simm.s32 $0x280;
	s5 =	sor.u32 $0x60, s12;
	s28 =	sadd.s32 s14, s6  }
0x11: {  	[tilespmem:s18], [sflag:$0x6] =	stream.linear.gather [hbm4b:s28+s3], $0x80, $0x38;
	[tilespmem:$0x800] =	vst v63  }
0x12: {  	s20 =	simm.s32 $0x300;
	s19 =	sadd.s32 s14, s5;
	s4 =	sor.u32 $0x70, s12  }
0x13: {  	[tilespmem:s20], [sflag:$0x7] =	stream.linear.gather [hbm4b:s19+s3], $0x80, $0x38;
	[tilespmem:$0x800] =	vst v63  }
0x14: {  	s29 =	simm.s32 $0x1;
	s14 =	sadd.s32 s14, s4;
	s19 =	simm.s32 $0x380  }
0x15: {  	[tilespmem:s19], [sflag:$0x8] =	stream.linear.gather [hbm4b:s14+s3], $0x80, $0x38;
	[tilespmem:$0x800] =	vst v63  }
0x16: {  	_ =	swait.ge [sflag:s29], $0x80  }
0x17: {  	[sflag:s29] =	ssyncset.done $0x0  }
0x18: {  	s21 =	simm.s32 $0x2;
	s14 =	simm.s32 $0x400;
	[sflag:s29] =	ssyncadd.s32 $0xFFFFFF80  }
0x19: {  	[tilespmem:s14], [sflag:$0x9] =	stream.indirect.gather [hbm4b:s10+s13], $0x1, s3, s13, $0xb8;
	[tilespmem:$0x800] =	vst v63  }
0x1a: {  	_ =	swait.ge [sflag:s21], $0x80  }
0x1b: {  	[sflag:s21] =	ssyncset.done $0x0  }
0x1c: {  	s22 =	simm.s32 $0x3;
	[sflag:s21] =	ssyncadd.s32 $0xFFFFFF80;
	s21 =	simm.s32 $0x480  }
0x1d: {  	[tilespmem:s21], [sflag:$0xA] =	stream.indirect.gather [hbm4b:s10+s13], $0x1, s13, s13, $0xb8;
	[tilespmem:$0x800] =	vst v63  }
0x1e: {  	_ =	swait.ge [sflag:s22], $0x80  }
0x1f: {  	[sflag:s22] =	ssyncset.done $0x0  }
0x20: {  	s30 =	simm.s32 $0x4;
	[sflag:s22] =	ssyncadd.s32 $0xFFFFFF80;
	s22 =	simm.s32 $0x500  }
0x21: {  	[tilespmem:s22], [sflag:$0xB] =	stream.indirect.gather [hbm4b:s10+s13], $0x1, s15, s13, $0xb8;
	[tilespmem:$0x800] =	vst v63  }
0x22: {  	_ =	swait.ge [sflag:s30], $0x80  }
0x23: {  	[sflag:s30] =	ssyncset.done $0x0  }
0x24: {  	s31 =	simm.s32 $0x5;
	s15 =	simm.s32 $0x580;
	[sflag:s30] =	ssyncadd.s32 $0xFFFFFF80  }
0x25: {  	[tilespmem:s15], [sflag:$0xC] =	stream.indirect.gather [hbm4b:s10+s13], $0x1, s16, s13, $0xb8;
	[tilespmem:$0x800] =	vst v63  }
0x26: {  	_ =	swait.ge [sflag:s31], $0x80  }
0x27: {  	[sflag:s31] =	ssyncset.done $0x0  }
0x28: {  	s23 =	simm.s32 $0x600;
	s24 =	simm.s32 $0x6;
	[sflag:s31] =	ssyncadd.s32 $0xFFFFFF80  }
0x29: {  	[tilespmem:s23], [sflag:$0xD] =	stream.indirect.gather [hbm4b:s10+s13], $0x1, s17, s13, $0xb8;
	[tilespmem:$0x800] =	vst v63  }
0x2a: {  	_ =	swait.ge [sflag:s24], $0x80  }
0x2b: {  	[sflag:s24] =	ssyncset.done $0x0  }
0x2c: {  	s25 =	simm.s32 $0x680;
	s26 =	simm.s32 $0x7;
	[sflag:s24] =	ssyncadd.s32 $0xFFFFFF80  }
0x2d: {  	[tilespmem:s25], [sflag:$0xE] =	stream.indirect.gather [hbm4b:s10+s13], $0x1, s18, s13, $0xb8;
	[tilespmem:$0x800] =	vst v63  }
0x2e: {  	_ =	swait.ge [sflag:s26], $0x80  }
0x2f: {  	[sflag:s26] =	ssyncset.done $0x0  }
0x30: {  	s28 =	simm.s32 $0x700;
	s29 =	simm.s32 $0x8;
	[sflag:s26] =	ssyncadd.s32 $0xFFFFFF80  }
0x31: {  	[tilespmem:s28], [sflag:$0xF] =	stream.indirect.gather [hbm4b:s10+s13], $0x1, s20, s13, $0xb8;
	[tilespmem:$0x800] =	vst v63  }
0x32: {  	_ =	swait.ge [sflag:s29], $0x80  }
0x33: {  	[sflag:s29] =	ssyncset.done $0x0  }
0x34: {  	s30 =	simm.s32 $0x780;
	s31 =	simm.s32 $0x9;
	[sflag:s29] =	ssyncadd.s32 $0xFFFFFF80  }
0x35: {  	[tilespmem:s30], [sflag:$0x10] =	stream.indirect.gather [hbm4b:s10+s13], $0x1, s19, s13, $0xb8;
	[tilespmem:$0x800] =	vst v63  }
0x36: {  	_ =	swait.ge [sflag:s31], $0x80  }
0x37: {  	[sflag:s31] =	ssyncset.done $0x0  }
0x38: {  	s12 =	sadd.s32 s2, s12;
	[sflag:s31] =	ssyncadd.s32 $0xFFFFFF80  }
0x39: {  	[hbm4b:s12+s3] =	stream.linear.scatter [tilespmem:s14], [sflag:$0x11], $0x80, $0x38;
	[tilespmem:$0x800] =	vst v63  }
0x3a: {  	s12 =	simm.s32 $0xA  }
0x3b: {  	_ =	swait.ge [sflag:s12], $0x80  }
0x3c: {  	[sflag:s12] =	ssyncset.done $0x0  }
0x3d: {  	s11 =	sadd.s32 s2, s11;
	s13 =	simm.s32 $0xB;
	[sflag:s12] =	ssyncadd.s32 $0xFFFFFF80  }
0x3e: {  	[hbm4b:s11+s3] =	stream.linear.scatter [tilespmem:s21], [sflag:$0x12], $0x80, $0x38;
	[tilespmem:$0x800] =	vst v63  }
0x3f: {  	_ =	swait.ge [sflag:s13], $0x80  }
0x40: {  	[sflag:s13] =	ssyncset.done $0x0  }
0x41: {  	s9 =	sadd.s32 s2, s9;
	s14 =	simm.s32 $0xC;
	[sflag:s13] =	ssyncadd.s32 $0xFFFFFF80  }
0x42: {  	[hbm4b:s9+s3] =	stream.linear.scatter [tilespmem:s22], [sflag:$0x13], $0x80, $0x38;
	[tilespmem:$0x800] =	vst v63  }
0x43: {  	_ =	swait.ge [sflag:s14], $0x80  }
0x44: {  	[sflag:s14] =	ssyncset.done $0x0  }
0x45: {  	s8 =	sadd.s32 s2, s8;
	[sflag:s14] =	ssyncadd.s32 $0xFFFFFF80  }
0x46: {  	[hbm4b:s8+s3] =	stream.linear.scatter [tilespmem:s15], [sflag:$0x14], $0x80, $0x38;
	[tilespmem:$0x800] =	vst v63  }
0x47: {  	s15 =	simm.s32 $0xD  }
0x48: {  	_ =	swait.ge [sflag:s15], $0x80  }
0x49: {  	[sflag:s15] =	ssyncset.done $0x0  }
0x4a: {  	s7 =	sadd.s32 s2, s7;
	s19 =	simm.s32 $0xE;
	[sflag:s15] =	ssyncadd.s32 $0xFFFFFF80  }
0x4b: {  	[hbm4b:s7+s3] =	stream.linear.scatter [tilespmem:s23], [sflag:$0x15], $0x80, $0x38;
	[tilespmem:$0x800] =	vst v63  }
0x4c: {  	_ =	swait.ge [sflag:s19], $0x80  }
0x4d: {  	[sflag:s19] =	ssyncset.done $0x0  }
0x4e: {  	s6 =	sadd.s32 s2, s6;
	s21 =	simm.s32 $0xF;
	[sflag:s19] =	ssyncadd.s32 $0xFFFFFF80  }
0x4f: {  	[hbm4b:s6+s3] =	stream.linear.scatter [tilespmem:s25], [sflag:$0x16], $0x80, $0x38;
	[tilespmem:$0x800] =	vst v63  }
0x50: {  	_ =	swait.ge [sflag:s21], $0x80  }
0x51: {  	[sflag:s21] =	ssyncset.done $0x0  }
0x52: {  	s5 =	sadd.s32 s2, s5;
	s22 =	simm.s32 $0x10;
	[sflag:s21] =	ssyncadd.s32 $0xFFFFFF80  }
0x53: {  	[hbm4b:s5+s3] =	stream.linear.scatter [tilespmem:s28], [sflag:$0x17], $0x80, $0x38;
	[tilespmem:$0x800] =	vst v63  }
0x54: {  	_ =	swait.ge [sflag:s22], $0x80  }
0x55: {  	[sflag:s22] =	ssyncset.done $0x0  }
0x56: {  	s2 =	sadd.s32 s2, s4;
	s23 =	simm.s32 $0x11;
	[sflag:s22] =	ssyncadd.s32 $0xFFFFFF80  }
0x57: {  	[hbm4b:s2+s3] =	stream.linear.scatter [tilespmem:s30], [sflag:$0x18], $0x80, $0x38;
	[tilespmem:$0x800] =	vst v63  }
0x58: {  	_ =	swait.ge [sflag:s23], $0x80  }
0x59: {  	[sflag:s23] =	ssyncset.done $0x0  }
0x5a: {  	s24 =	simm.s32 $0x12;
	[sflag:s23] =	ssyncadd.s32 $0xFFFFFF80  }
0x5b: {  	_ =	swait.ge [sflag:s24], $0x80  }
0x5c: {  	[sflag:s24] =	ssyncset.done $0x0  }
0x5d: {  	s25 =	simm.s32 $0x13;
	[sflag:s24] =	ssyncadd.s32 $0xFFFFFF80  }
0x5e: {  	_ =	swait.ge [sflag:s25], $0x80  }
0x5f: {  	[sflag:s25] =	ssyncset.done $0x0  }
0x60: {  	s26 =	simm.s32 $0x14;
	[sflag:s25] =	ssyncadd.s32 $0xFFFFFF80  }
0x61: {  	_ =	swait.ge [sflag:s26], $0x80  }
0x62: {  	[sflag:s26] =	ssyncset.done $0x0  }
0x63: {  	s28 =	simm.s32 $0x15;
	[sflag:s26] =	ssyncadd.s32 $0xFFFFFF80  }
0x64: {  	_ =	swait.ge [sflag:s28], $0x80  }
0x65: {  	[sflag:s28] =	ssyncset.done $0x0  }
0x66: {  	s29 =	simm.s32 $0x16;
	[sflag:s28] =	ssyncadd.s32 $0xFFFFFF80  }
0x67: {  	_ =	swait.ge [sflag:s29], $0x80  }
0x68: {  	[sflag:s29] =	ssyncset.done $0x0  }
0x69: {  	s30 =	simm.s32 $0x17;
	[sflag:s29] =	ssyncadd.s32 $0xFFFFFF80  }
0x6a: {  	_ =	swait.ge [sflag:s30], $0x80  }
0x6b: {  	[sflag:s30] =	ssyncset.done $0x0  }
0x6c: {  	s31 =	simm.s32 $0x18;
	[sflag:s30] =	ssyncadd.s32 $0xFFFFFF80  }
0x6d: {  	_ =	swait.ge [sflag:s31], $0x80  }
0x6e: {  	[sflag:s31] =	ssyncset.done $0x0  }
0x6f: {  	[sflag:s31] =	ssyncadd.s32 $0xFFFFFF80  }
0x70: {  	_ =	sfence.sel $0x180000  }
0x71: {  	[bflag:$0x0] =	sbarrier.arrive $0xFFFF  }
0x72: {  	p0 =	sne.s32 s1, $0x0;
	_ =	strace $0x90000047  }
0x73: {  	s0 =	sadd.s32 @!p0 $0x100000, s0;
	[bflag:$0x2] =	sbarrier.arrive $0xFFFF  }
0x74: {  	[sflag:s0] =	ssyncadd.tile.s32 @!p0 $0x1;
	_ =	shalt  }
.Lfunc_end2:
_tile_overlayer_lowered:
.L_overlay_start_2:
0x75: {  	(tag) =	ssettag $0x2  }
0x76: {  	s0 =	rddreg [dreg:$0x0];
	s2 =	stileid.u32  }
0x77: {  	s1 =	rddreg [dreg:$0x1];
	p0 =	sne.s32 s2, $0x0  }
0x78: {  	s3 =	rddreg [dreg:$0x2];
	[bflag:$0x3] =	sbarrier.arrive $0xFFFF;
	s2 =	simm.s32 @!p0 $0x1C19  }
0x79: {  	[timem:s3], [sflag:s2] =	dma.local @!p0 [hbm:s0], s1  }
0x7a: {  	s0 =	simm.s32 @!p0 $0x19  }
0x7b: {  	_ =	swait.ge @!p0 [sflag:s0], s1  }
0x7c: {  	s1 =	ssub.s32 @!p0 $0x0, s1;
	[sflag:s0] =	ssyncset.done @!p0 $0x0  }
0x7d: {  	[sflag:s0] =	ssyncadd.s32 @!p0 s1  }
0x7e: {  	[bflag:$0x3] =	sbarrier.arrive $0xFFFF  }
0x7f: {  	_ =	shalt  }

</sc_bundles>
